<compile_context>
chip_gen: v7x
topology: tpu7x:2x2x1
jax: 0.10.2.dev20260603
libtpu: 0.0.44.dev20260713+nightly
codegen_flags: <defaults>
</compile_context>

<pallas_src>
import functools

import jax
import jax.numpy as jnp
from jax import lax
from jax.experimental import pallas as pl
from jax.experimental.pallas import tpu as pltpu
from jax.experimental.pallas import tpu_sc as plsc

N = 10000
E = 320000
D = 128
G = 64
NC = 2
NS = 16
NW = NC * NS
EPT = E // NW
CHUNK = 80
NCHUNK = EPT // CHUNK
NP = 10240
RPS = 624
RPS_LAST = N - RPS * (NS - 1)
BR = 2000
NB = N // BR

_mesh = plsc.VectorSubcoreMesh(core_axis_name="c", subcore_axis_name="s")


def _copy_rows(src, dst, sid, add=False):

    @pl.when(sid < NS - 1)
    def _():
        pltpu.sync_copy(src.at[pl.ds(sid * RPS, RPS)],
                        dst.at[pl.ds(sid * RPS, RPS)], add=add)

    @pl.when(sid == NS - 1)
    def _():
        pltpu.sync_copy(src.at[pl.ds((NS - 1) * RPS, RPS_LAST)],
                        dst.at[pl.ds((NS - 1) * RPS, RPS_LAST)], add=add)


def _deg_body(dst_hbm, zeros_hbm, out_hbm, idx_v, ones_v, deg_sh):
    cid = lax.axis_index("c")
    sid = lax.axis_index("s")

    @pl.when(sid == 0)
    def _():
        pltpu.sync_copy(zeros_hbm, deg_sh)

    for j in range(CHUNK // 16):
        ones_v[pl.ds(j * 16, 16)] = jnp.full((16,), 1.0, jnp.float32)
    plsc.subcore_barrier()

    def step(i, _):
        base = cid * (NS * EPT) + sid * EPT + i * CHUNK
        pltpu.sync_copy(dst_hbm.at[pl.ds(base, CHUNK)], idx_v)
        pltpu.sync_copy(ones_v, deg_sh.at[idx_v], add=True)
        return 0

    lax.fori_loop(0, NCHUNK, step, 0)
    plsc.subcore_barrier()

    @pl.when(sid == 0)
    def _():
        pltpu.sync_copy(deg_sh, out_hbm.at[pl.ds(cid * NP, NP)])


_deg_call = functools.partial(
    pl.kernel,
    out_type=jax.ShapeDtypeStruct((NC * NP,), jnp.float32),
    mesh=_mesh,
    scratch_types=[
        pltpu.VMEM((CHUNK,), jnp.int32),
        pltpu.VMEM((CHUNK,), jnp.float32),
        pltpu.VMEM_SHARED((NP,), jnp.float32),
    ],
)(_deg_body)


def _agg_body(h_hbm, src_hbm, dst_hbm, zeros_hbm, out_hbm,
              sidx_v, didx_v, rows_v, acc_sh):
    cid = lax.axis_index("c")
    sid = lax.axis_index("s")

    _copy_rows(zeros_hbm, acc_sh, sid)
    plsc.subcore_barrier()

    def step(i, _):
        base = cid * (NS * EPT) + sid * EPT + i * CHUNK
        pltpu.sync_copy(src_hbm.at[pl.ds(base, CHUNK)], sidx_v)
        pltpu.sync_copy(dst_hbm.at[pl.ds(base, CHUNK)], didx_v)
        pltpu.sync_copy(h_hbm.at[sidx_v], rows_v)
        pltpu.sync_copy(rows_v, acc_sh.at[didx_v], add=True)
        return 0

    lax.fori_loop(0, NCHUNK, step, 0)
    plsc.subcore_barrier()
    _copy_rows(acc_sh, out_hbm.at[cid], sid)


_agg_call = functools.partial(
    pl.kernel,
    out_type=jax.ShapeDtypeStruct((NC, N, D), jnp.float32),
    mesh=_mesh,
    scratch_types=[
        pltpu.VMEM((CHUNK,), jnp.int32),
        pltpu.VMEM((CHUNK,), jnp.int32),
        pltpu.VMEM((CHUNK, D), jnp.float32),
        pltpu.VMEM_SHARED((N, D), jnp.float32),
    ],
)(_agg_body)


def _tc1_body(x_ref, w_ref, dga_ref, dgb_ref, hp_ref, dis_ref):
    deg = dga_ref[...] + dgb_ref[...] + 1.0
    dis = lax.rsqrt(deg)
    dis_ref[...] = dis
    h = jnp.dot(x_ref[...], w_ref[...], preferred_element_type=jnp.float32)
    hp_ref[...] = h * dis


def _tc1(x, W, degA, degB):
    return pl.pallas_call(
        _tc1_body,
        grid=(NB,),
        in_specs=[
            pl.BlockSpec((BR, D), lambda i: (i, 0)),
            pl.BlockSpec((D, D), lambda i: (0, 0)),
            pl.BlockSpec((BR, 1), lambda i: (i, 0)),
            pl.BlockSpec((BR, 1), lambda i: (i, 0)),
        ],
        out_specs=[
            pl.BlockSpec((BR, D), lambda i: (i, 0)),
            pl.BlockSpec((BR, 1), lambda i: (i, 0)),
        ],
        out_shape=[
            jax.ShapeDtypeStruct((N, D), jnp.float32),
            jax.ShapeDtypeStruct((N, 1), jnp.float32),
        ],
    )(x, W, degA, degB)


def _tc2_body(acc_ref, hp_ref, dis_ref, b_ref, w_ref, out_ref):
    acc = acc_ref[...]
    s = acc[0] + acc[1] + hp_ref[...]
    z = jnp.maximum(s * dis_ref[...] + b_ref[...], 0.0)
    h = jnp.dot(z, w_ref[...], preferred_element_type=jnp.float32)
    out_ref[...] = h * dis_ref[...]


def _tc2(acc, hp, dis, b, W):
    return pl.pallas_call(
        _tc2_body,
        grid=(NB,),
        in_specs=[
            pl.BlockSpec((NC, BR, D), lambda i: (0, i, 0)),
            pl.BlockSpec((BR, D), lambda i: (i, 0)),
            pl.BlockSpec((BR, 1), lambda i: (i, 0)),
            pl.BlockSpec((1, D), lambda i: (0, 0)),
            pl.BlockSpec((D, D), lambda i: (0, 0)),
        ],
        out_specs=pl.BlockSpec((BR, D), lambda i: (i, 0)),
        out_shape=jax.ShapeDtypeStruct((N, D), jnp.float32),
    )(acc, hp, dis, b, W)


def _tc3_body(acc_ref, hp_ref, dis_ref, b_ref, bat_ref, wfc_ref, bfc_ref,
              out_ref, sums_ref, cnts_ref):
    i = pl.program_id(0)
    acc = acc_ref[...]
    s = acc[0] + acc[1] + hp_ref[...]
    z = jnp.maximum(s * dis_ref[...] + b_ref[...], 0.0)
    gids = lax.broadcasted_iota(jnp.int32, (BR, G), 1)
    oh = (bat_ref[...] == gids).astype(jnp.float32)
    part = lax.dot_general(oh, z, (((0,), (0,)), ((), ())),
                           preferred_element_type=jnp.float32)
    cpart = lax.dot_general(oh, jnp.ones_like(z), (((0,), (0,)), ((), ())),
                            preferred_element_type=jnp.float32)

    @pl.when(i == 0)
    def _():
        sums_ref[...] = jnp.zeros_like(sums_ref)
        cnts_ref[...] = jnp.zeros_like(cnts_ref)

    sums_ref[...] += part
    cnts_ref[...] += cpart

    @pl.when(i == NB - 1)
    def _():
        emb = sums_ref[...] / jnp.maximum(cnts_ref[...], 1.0)
        out_ref[...] = jnp.dot(emb, wfc_ref[...],
                               preferred_element_type=jnp.float32) + bfc_ref[...]


def _tc3(acc, hp, dis, b, batch2d, Wfc, bfc):
    return pl.pallas_call(
        _tc3_body,
        grid=(NB,),
        in_specs=[
            pl.BlockSpec((NC, BR, D), lambda i: (0, i, 0)),
            pl.BlockSpec((BR, D), lambda i: (i, 0)),
            pl.BlockSpec((BR, 1), lambda i: (i, 0)),
            pl.BlockSpec((1, D), lambda i: (0, 0)),
            pl.BlockSpec((BR, 1), lambda i: (i, 0)),
            pl.BlockSpec((D, D), lambda i: (0, 0)),
            pl.BlockSpec((1, D), lambda i: (0, 0)),
        ],
        out_specs=pl.BlockSpec((G, D), lambda i: (0, 0)),
        out_shape=jax.ShapeDtypeStruct((G, D), jnp.float32),
        scratch_shapes=[
            pltpu.VMEM((G, D), jnp.float32),
            pltpu.VMEM((G, D), jnp.float32),
        ],
    )(acc, hp, dis, b, batch2d, Wfc, bfc)


@jax.jit
def kernel(x, edge_index, batch, W1, b1, W2, b2, Wfc, bfc):
    src = edge_index[0]
    dst = edge_index[1]
    zeros1 = jnp.zeros((NP,), jnp.float32)
    zeros2 = jnp.zeros((N, D), jnp.float32)

    deg = _deg_call(dst, zeros1)
    degA = deg[:N].reshape(N, 1)
    degB = deg[NP:NP + N].reshape(N, 1)

    h1p, dis = _tc1(x, W1, degA, degB)
    acc1 = _agg_call(h1p, src, dst, zeros2)
    h2p = _tc2(acc1, h1p, dis, b1.reshape(1, D), W2)
    acc2 = _agg_call(h2p, src, dst, zeros2)
    return _tc3(acc2, h2p, dis, b2.reshape(1, D), batch.reshape(N, 1),
                Wfc, bfc.reshape(1, D))

# --- scband reference (transcript-rebuilt; emitter-appended) ---
"""Pipeline reference for scband-graph-encoder-15968688406922 (READ-ONLY COPY).

The authoritative reference and input builder live on the scoring server;
editing this copy changes nothing except your own understanding.
"""

import jax, jax.numpy as jnp
import numpy as np

N_NODES = 10000
N_EDGES = 320000
D_IN = 128
D_HID = 128
D_OUT = 128
N_GRAPHS = 64


def setup_inputs(seed: int = 0) -> dict:
    key = jax.random.key(seed)
    ks = jax.random.split(key, 10)
    x = jax.random.normal(ks[0], (N_NODES, D_IN), dtype=jnp.float32)
    edge_index = jax.random.randint(ks[1], (2, N_EDGES), 0, N_NODES, dtype=jnp.int32)
    batch = jnp.sort(jax.random.randint(ks[2], (N_NODES,), 0, N_GRAPHS, dtype=jnp.int32))
    s1 = 1.0 / np.sqrt(D_IN)
    s2 = 1.0 / np.sqrt(D_HID)
    W1 = jax.random.uniform(ks[3], (D_IN, D_HID), dtype=jnp.float32, minval=-s1, maxval=s1)
    b1 = jnp.zeros((D_HID,), dtype=jnp.float32)
    W2 = jax.random.uniform(ks[4], (D_HID, D_HID), dtype=jnp.float32, minval=-s2, maxval=s2)
    b2 = jnp.zeros((D_HID,), dtype=jnp.float32)
    Wfc = jax.random.uniform(ks[5], (D_HID, D_OUT), dtype=jnp.float32, minval=-s2, maxval=s2)
    bfc = jax.random.uniform(ks[6], (D_OUT,), dtype=jnp.float32, minval=-s2, maxval=s2)
    return {"x": x, "edge_index": edge_index, "batch": batch,
            "W1": W1, "b1": b1, "W2": W2, "b2": b2, "Wfc": Wfc, "bfc": bfc}


def _gcn_conv(x, src, dst, edge_weight, W, b):
    # PyG GCNConv: symmetric normalization with self-loops (fill_value=1)
    n = x.shape[0]
    loop = jnp.arange(n, dtype=src.dtype)
    src2 = jnp.concatenate([src, loop])
    dst2 = jnp.concatenate([dst, loop])
    ew = jnp.concatenate([edge_weight, jnp.ones((n,), dtype=x.dtype)])
    deg = jax.ops.segment_sum(ew, dst2, num_segments=n)
    dis = jnp.where(deg > 0, jax.lax.rsqrt(jnp.where(deg > 0, deg, 1.0)), 0.0)
    norm = dis[src2] * dis[dst2] * ew
    h = x @ W
    msg = h[src2] * norm[:, None]
    out = jax.ops.segment_sum(msg, dst2, num_segments=n)
    return out + b


def reference(x, edge_index, batch, W1, b1, W2, b2, Wfc, bfc):
    n = x.shape[0]
    src = edge_index[0]
    dst = edge_index[1]
    # mask = (edge_index[0] < N) & (edge_index[1] < N); implemented as edge weights
    mask = (src < n) & (dst < n)
    ew = mask.astype(x.dtype)
    src = jnp.clip(src, 0, n - 1)
    dst = jnp.clip(dst, 0, n - 1)
    h = _gcn_conv(x, src, dst, ew, W1, b1)
    h = jax.nn.relu(h)
    h = _gcn_conv(h, src, dst, ew, W2, b2)
    h = jax.nn.relu(h)
    # global_mean_pool
    b = batch.reshape(-1)
    sums = jax.ops.segment_sum(h, b, num_segments=N_GRAPHS)
    cnts = jax.ops.segment_sum(jnp.ones((n,), dtype=h.dtype), b, num_segments=N_GRAPHS)
    graph_emb = sums / jnp.clip(cnts, 1.0, None)[:, None]
    return graph_emb @ Wfc + bfc

if __name__ == "__main__":
    import jax
    _d = setup_inputs()
    print(jax.jit(kernel)(*tuple(_d.values())))

</pallas_src>

<mosaic_0001>
#map = affine_map<(d0, d1) -> (0)>
module attributes {stable_mosaic.version = 14 : i64} {
  func.func @_deg_body(%arg0: i32, %arg1: i32, %arg2: memref<320000xi32, #tpu.memory_space<hbm>>, %arg3: memref<10240xf32, #tpu.memory_space<hbm>>, %arg4: memref<20480xf32, #tpu.memory_space<hbm>>, %arg5: memref<80xi32, #tpu.memory_space<vmem>>, %arg6: memref<80xf32, #tpu.memory_space<vmem>>, %arg7: memref<10240xf32, #tpu.memory_space<vmem_shared>>) attributes {dimension_semantics = [#tpu.dimension_semantics<core_parallel>, #tpu.dimension_semantics<subcore_parallel>], iteration_bounds = array<i64: 2, 16>, scalar_prefetch = 0 : i64, scratch_operands = 3 : i64, tpu.core_type = #tpu.core_type<sc_vector_subcore>, window_params = [{transform_indices = #map}, {transform_indices = #map}, {transform_indices = #map}]} {
    %eq3A = arith.constant 0 : i32
    %eq3A_0 = arith.cmpi eq, %arg1, %eq3A : i32
    %convert_element_type3A = arith.extui %eq3A_0 : i1 to i32
    %cond3A = arith.constant 0 : i32
    %cond3A_1 = arith.cmpi ne, %convert_element_type3A, %cond3A : i32
    scf.if %cond3A_1 {
      "tpu.region"() ({
        %run_scoped3A = tpu.sem_alloc : memref<!tpu.dma_semaphore, #tpu.memory_space<semaphore_mem>>
        tpu.enqueue_dma source(%arg3 : memref<10240xf32, #tpu.memory_space<hbm>>) target(%arg7 : memref<10240xf32, #tpu.memory_space<vmem_shared>>) target_semaphore(%run_scoped3A : memref<!tpu.dma_semaphore, #tpu.memory_space<semaphore_mem>>)
        tpu.wait_dma2 semaphore(%run_scoped3A : memref<!tpu.dma_semaphore, #tpu.memory_space<semaphore_mem>>) src(%arg3 : memref<10240xf32, #tpu.memory_space<hbm>>) dst(%arg7 : memref<10240xf32, #tpu.memory_space<vmem_shared>>)
        tpu.yield
      }) : () -> ()
    } else {
    }
    %broadcast_in_dim3A = arith.constant 1.000000e+00 : f32
    %broadcast_in_dim3A_2 = vector.broadcast %broadcast_in_dim3A : f32 to vector<16xf32>
    %swap3A = arith.constant 0 : index
    %swap3A_3 = tpu.vector_load %arg6[%swap3A] {strides = array<i32>} : memref<80xf32, #tpu.memory_space<vmem>>, vector<16xf32>,
    %swap3A_4 = vector.shape_cast %swap3A_3 : vector<16xf32> to vector<16xf32>
    %swap3A_5 = vector.shape_cast %broadcast_in_dim3A_2 : vector<16xf32> to vector<16xf32>
    tpu.vector_store %arg6[%swap3A], %swap3A_5 {strides = array<i32>} : memref<80xf32, #tpu.memory_space<vmem>>, vector<16xf32>,
    %broadcast_in_dim3A_6 = arith.constant 1.000000e+00 : f32
    %broadcast_in_dim3A_7 = vector.broadcast %broadcast_in_dim3A_6 : f32 to vector<16xf32>
    %swap3A_8 = arith.constant 16 : index
    %swap3A_9 = tpu.vector_load %arg6[%swap3A_8] {strides = array<i32>} : memref<80xf32, #tpu.memory_space<vmem>>, vector<16xf32>,
    %swap3A_10 = vector.shape_cast %swap3A_9 : vector<16xf32> to vector<16xf32>
    %swap3A_11 = vector.shape_cast %broadcast_in_dim3A_7 : vector<16xf32> to vector<16xf32>
    tpu.vector_store %arg6[%swap3A_8], %swap3A_11 {strides = array<i32>} : memref<80xf32, #tpu.memory_space<vmem>>, vector<16xf32>,
    %broadcast_in_dim3A_12 = arith.constant 1.000000e+00 : f32
    %broadcast_in_dim3A_13 = vector.broadcast %broadcast_in_dim3A_12 : f32 to vector<16xf32>
    %swap3A_14 = arith.constant 32 : index
    %swap3A_15 = tpu.vector_load %arg6[%swap3A_14] {strides = array<i32>} : memref<80xf32, #tpu.memory_space<vmem>>, vector<16xf32>,
    %swap3A_16 = vector.shape_cast %swap3A_15 : vector<16xf32> to vector<16xf32>
    %swap3A_17 = vector.shape_cast %broadcast_in_dim3A_13 : vector<16xf32> to vector<16xf32>
    tpu.vector_store %arg6[%swap3A_14], %swap3A_17 {strides = array<i32>} : memref<80xf32, #tpu.memory_space<vmem>>, vector<16xf32>,
    %broadcast_in_dim3A_18 = arith.constant 1.000000e+00 : f32
    %broadcast_in_dim3A_19 = vector.broadcast %broadcast_in_dim3A_18 : f32 to vector<16xf32>
    %swap3A_20 = arith.constant 48 : index
    %swap3A_21 = tpu.vector_load %arg6[%swap3A_20] {strides = array<i32>} : memref<80xf32, #tpu.memory_space<vmem>>, vector<16xf32>,
    %swap3A_22 = vector.shape_cast %swap3A_21 : vector<16xf32> to vector<16xf32>
    %swap3A_23 = vector.shape_cast %broadcast_in_dim3A_19 : vector<16xf32> to vector<16xf32>
    tpu.vector_store %arg6[%swap3A_20], %swap3A_23 {strides = array<i32>} : memref<80xf32, #tpu.memory_space<vmem>>, vector<16xf32>,
    %broadcast_in_dim3A_24 = arith.constant 1.000000e+00 : f32
    %broadcast_in_dim3A_25 = vector.broadcast %broadcast_in_dim3A_24 : f32 to vector<16xf32>
    %swap3A_26 = arith.constant 64 : index
    %swap3A_27 = tpu.vector_load %arg6[%swap3A_26] {strides = array<i32>} : memref<80xf32, #tpu.memory_space<vmem>>, vector<16xf32>,
    %swap3A_28 = vector.shape_cast %swap3A_27 : vector<16xf32> to vector<16xf32>
    %swap3A_29 = vector.shape_cast %broadcast_in_dim3A_25 : vector<16xf32> to vector<16xf32>
    tpu.vector_store %arg6[%swap3A_26], %swap3A_29 {strides = array<i32>} : memref<80xf32, #tpu.memory_space<vmem>>, vector<16xf32>,
    %barrier3A = arith.constant 0 : index
    tpu.barrier barrier_id(%barrier3A)
    %scan3A = arith.constant 0 : i32
    %scan3A_30 = arith.constant 0 : i32
    %scan3A_31 = arith.constant 125 : i32
    %scan3A_32 = arith.addi %scan3A_30, %scan3A_31 : i32
    %scan3A_33 = arith.constant 1 : i32
    %scan3A_34 = scf.for %scan3A_42 = %scan3A_30 to %scan3A_32 step %scan3A_33 iter_args(%scan3A_43 = %scan3A) -> (i32)  : i32 {
      %mul3A = arith.constant 160000 : i32
      %mul3A_44 = arith.muli %arg0, %mul3A : i32
      %mul3A_45 = arith.constant 10000 : i32
      %mul3A_46 = arith.muli %arg1, %mul3A_45 : i32
      %add3A = arith.addi %mul3A_44, %mul3A_46 : i32
      %mul3A_47 = arith.constant 80 : i32
      %mul3A_48 = arith.muli %scan3A_42, %mul3A_47 : i32
      %add3A_49 = arith.addi %add3A, %mul3A_48 : i32
      "tpu.region"() ({
        %run_scoped3A = tpu.sem_alloc : memref<!tpu.dma_semaphore, #tpu.memory_space<semaphore_mem>>
        %dma_start3A = tpu.memref_slice %arg2[%add3A_49] : memref<320000xi32, #tpu.memory_space<hbm>> -> memref<80xi32, #tpu.memory_space<hbm>>
        %dma_start3A_51 = tpu.memref_slice %arg2[%add3A_49] : memref<320000xi32, #tpu.memory_space<hbm>> -> memref<80xi32, #tpu.memory_space<hbm>>
        tpu.enqueue_dma source(%dma_start3A_51 : memref<80xi32, #tpu.memory_space<hbm>>) target(%arg5 : memref<80xi32, #tpu.memory_space<vmem>>) target_semaphore(%run_scoped3A : memref<!tpu.dma_semaphore, #tpu.memory_space<semaphore_mem>>)
        %dma_wait3A = tpu.memref_slice %arg2[%add3A_49] : memref<320000xi32, #tpu.memory_space<hbm>> -> memref<80xi32, #tpu.memory_space<hbm>>
        %dma_wait3A_52 = tpu.memref_slice %arg2[%add3A_49] : memref<320000xi32, #tpu.memory_space<hbm>> -> memref<80xi32, #tpu.memory_space<hbm>>
        tpu.wait_dma2 semaphore(%run_scoped3A : memref<!tpu.dma_semaphore, #tpu.memory_space<semaphore_mem>>) src(%dma_wait3A_52 : memref<80xi32, #tpu.memory_space<hbm>>) dst(%arg5 : memref<80xi32, #tpu.memory_space<vmem>>)
        tpu.yield
      }) : () -> ()
      "tpu.region"() ({
        %run_scoped3A = tpu.sem_alloc : memref<!tpu.dma_semaphore, #tpu.memory_space<semaphore_mem>>
        %dma_start3A = arith.constant 0 : i32
        %dma_start3A_51 = tpu.memref_slice %arg7[%dma_start3A] : memref<10240xf32, #tpu.memory_space<vmem_shared>> -> memref<10240xf32, #tpu.memory_space<vmem_shared>>
        tpu.enqueue_indirect_dma source(%arg6 : memref<80xf32, #tpu.memory_space<vmem>>) target(%dma_start3A_51 : memref<10240xf32, #tpu.memory_space<vmem_shared>>) offsets(%arg5 : memref<80xi32, #tpu.memory_space<vmem>>) semaphore(%run_scoped3A : memref<!tpu.dma_semaphore, #tpu.memory_space<semaphore_mem>>) {add = true}
        %dma_wait3A = arith.constant 0 : i32
        %dma_wait3A_52 = tpu.memref_slice %arg7[%dma_wait3A] : memref<10240xf32, #tpu.memory_space<vmem_shared>> -> memref<10240xf32, #tpu.memory_space<vmem_shared>>
        tpu.wait_indirect_dma semaphore(%run_scoped3A : memref<!tpu.dma_semaphore, #tpu.memory_space<semaphore_mem>>) src(%arg6 : memref<80xf32, #tpu.memory_space<vmem>>) dst(%dma_wait3A_52 : memref<10240xf32, #tpu.memory_space<vmem_shared>>)
        tpu.yield
      }) : () -> ()
      %scan3A_50 = arith.constant 0 : i32
      scf.yield %scan3A_50 : i32
    }
    %scan3A_35 = arith.constant 125 : i32
    %barrier3A_36 = arith.constant 0 : index
    tpu.barrier barrier_id(%barrier3A_36)
    %eq3A_37 = arith.constant 0 : i32
    %eq3A_38 = arith.cmpi eq, %arg1, %eq3A_37 : i32
    %convert_element_type3A_39 = arith.extui %eq3A_38 : i1 to i32
    %cond3A_40 = arith.constant 0 : i32
    %cond3A_41 = arith.cmpi ne, %convert_element_type3A_39, %cond3A_40 : i32
    scf.if %cond3A_41 {
      %mul3A = arith.constant 10240 : i32
      %mul3A_42 = arith.muli %arg0, %mul3A : i32
      "tpu.region"() ({
        %run_scoped3A = tpu.sem_alloc : memref<!tpu.dma_semaphore, #tpu.memory_space<semaphore_mem>>
        %dma_start3A = tpu.memref_slice %arg4[%mul3A_42] : memref<20480xf32, #tpu.memory_space<hbm>> -> memref<10240xf32, #tpu.memory_space<hbm>>
        tpu.enqueue_dma source(%arg7 : memref<10240xf32, #tpu.memory_space<vmem_shared>>) target(%dma_start3A : memref<10240xf32, #tpu.memory_space<hbm>>) target_semaphore(%run_scoped3A : memref<!tpu.dma_semaphore, #tpu.memory_space<semaphore_mem>>)
        %dma_wait3A = tpu.memref_slice %arg4[%mul3A_42] : memref<20480xf32, #tpu.memory_space<hbm>> -> memref<10240xf32, #tpu.memory_space<hbm>>
        tpu.wait_dma2 semaphore(%run_scoped3A : memref<!tpu.dma_semaphore, #tpu.memory_space<semaphore_mem>>) src(%arg7 : memref<10240xf32, #tpu.memory_space<vmem_shared>>) dst(%dma_wait3A : memref<10240xf32, #tpu.memory_space<hbm>>)
        tpu.yield
      }) : () -> ()
    } else {
    }
    return
  }
}

#map = affine_map<(d0, d1) -> (0, 0)>
#map1 = affine_map<(d0, d1) -> (0)>
#map2 = affine_map<(d0, d1) -> (0, 0, 0)>
module attributes {stable_mosaic.version = 14 : i64} {
  func.func @_agg_body(%arg0: i32, %arg1: i32, %arg2: memref<10000x128xf32, #tpu.memory_space<hbm>>, %arg3: memref<320000xi32, #tpu.memory_space<hbm>>, %arg4: memref<320000xi32, #tpu.memory_space<hbm>>, %arg5: memref<10000x128xf32, #tpu.memory_space<hbm>>, %arg6: memref<2x10000x128xf32, #tpu.memory_space<hbm>>, %arg7: memref<80xi32, #tpu.memory_space<vmem>>, %arg8: memref<80xi32, #tpu.memory_space<vmem>>, %arg9: memref<80x128xf32, #tpu.memory_space<vmem>>, %arg10: memref<10000x128xf32, #tpu.memory_space<vmem_shared>>) attributes {dimension_semantics = [#tpu.dimension_semantics<core_parallel>, #tpu.dimension_semantics<subcore_parallel>], iteration_bounds = array<i64: 2, 16>, scalar_prefetch = 0 : i64, scratch_operands = 4 : i64, tpu.core_type = #tpu.core_type<sc_vector_subcore>, window_params = [{transform_indices = #map}, {transform_indices = #map1}, {transform_indices = #map1}, {transform_indices = #map}, {transform_indices = #map2}]} {
    %lt3A = arith.constant 15 : i32
    %lt3A_0 = arith.cmpi slt, %arg1, %lt3A : i32
    %convert_element_type3A = arith.extui %lt3A_0 : i1 to i32
    %cond3A = arith.constant 0 : i32
    %cond3A_1 = arith.cmpi ne, %convert_element_type3A, %cond3A : i32
    scf.if %cond3A_1 {
      %mul3A = arith.constant 624 : i32
      %mul3A_23 = arith.muli %arg1, %mul3A : i32
      %mul3A_24 = arith.constant 624 : i32
      %mul3A_25 = arith.muli %arg1, %mul3A_24 : i32
      "tpu.region"() ({
        %run_scoped3A = tpu.sem_alloc : memref<!tpu.dma_semaphore, #tpu.memory_space<semaphore_mem>>
        %dma_start3A = arith.constant 0 : i32
        %dma_start3A_26 = tpu.memref_slice %arg10[%mul3A_25, %dma_start3A] : memref<10000x128xf32, #tpu.memory_space<vmem_shared>> -> memref<624x128xf32, #tpu.memory_space<vmem_shared>>
        %dma_start3A_27 = arith.constant 0 : i32
        %dma_start3A_28 = tpu.memref_slice %arg5[%mul3A_23, %dma_start3A_27] : memref<10000x128xf32, #tpu.memory_space<hbm>> -> memref<624x128xf32, #tpu.memory_space<hbm>>
        tpu.enqueue_dma source(%dma_start3A_28 : memref<624x128xf32, #tpu.memory_space<hbm>>) target(%dma_start3A_26 : memref<624x128xf32, #tpu.memory_space<vmem_shared>>) target_semaphore(%run_scoped3A : memref<!tpu.dma_semaphore, #tpu.memory_space<semaphore_mem>>)
        %dma_wait3A = arith.constant 0 : i32
        %dma_wait3A_29 = tpu.memref_slice %arg10[%mul3A_25, %dma_wait3A] : memref<10000x128xf32, #tpu.memory_space<vmem_shared>> -> memref<624x128xf32, #tpu.memory_space<vmem_shared>>
        %dma_wait3A_30 = arith.constant 0 : i32
        %dma_wait3A_31 = tpu.memref_slice %arg5[%mul3A_23, %dma_wait3A_30] : memref<10000x128xf32, #tpu.memory_space<hbm>> -> memref<624x128xf32, #tpu.memory_space<hbm>>
        tpu.wait_dma2 semaphore(%run_scoped3A : memref<!tpu.dma_semaphore, #tpu.memory_space<semaphore_mem>>) src(%dma_wait3A_31 : memref<624x128xf32, #tpu.memory_space<hbm>>) dst(%dma_wait3A_29 : memref<624x128xf32, #tpu.memory_space<vmem_shared>>)
        tpu.yield
      }) : () -> ()
    } else {
    }
    %eq3A = arith.constant 15 : i32
    %eq3A_2 = arith.cmpi eq, %arg1, %eq3A : i32
    %convert_element_type3A_3 = arith.extui %eq3A_2 : i1 to i32
    %cond3A_4 = arith.constant 0 : i32
    %cond3A_5 = arith.cmpi ne, %convert_element_type3A_3, %cond3A_4 : i32
    scf.if %cond3A_5 {
      "tpu.region"() ({
        %run_scoped3A = tpu.sem_alloc : memref<!tpu.dma_semaphore, #tpu.memory_space<semaphore_mem>>
        %dma_start3A = arith.constant 9360 : i32
        %dma_start3A_23 = arith.constant 0 : i32
        %dma_start3A_24 = tpu.memref_slice %arg10[%dma_start3A, %dma_start3A_23] : memref<10000x128xf32, #tpu.memory_space<vmem_shared>> -> memref<640x128xf32, #tpu.memory_space<vmem_shared>>
        %dma_start3A_25 = arith.constant 9360 : i32
        %dma_start3A_26 = arith.constant 0 : i32
        %dma_start3A_27 = tpu.memref_slice %arg5[%dma_start3A_25, %dma_start3A_26] : memref<10000x128xf32, #tpu.memory_space<hbm>> -> memref<640x128xf32, #tpu.memory_space<hbm>>
        tpu.enqueue_dma source(%dma_start3A_27 : memref<640x128xf32, #tpu.memory_space<hbm>>) target(%dma_start3A_24 : memref<640x128xf32, #tpu.memory_space<vmem_shared>>) target_semaphore(%run_scoped3A : memref<!tpu.dma_semaphore, #tpu.memory_space<semaphore_mem>>)
        %dma_wait3A = arith.constant 9360 : i32
        %dma_wait3A_28 = arith.constant 0 : i32
        %dma_wait3A_29 = tpu.memref_slice %arg10[%dma_wait3A, %dma_wait3A_28] : memref<10000x128xf32, #tpu.memory_space<vmem_shared>> -> memref<640x128xf32, #tpu.memory_space<vmem_shared>>
        %dma_wait3A_30 = arith.constant 9360 : i32
        %dma_wait3A_31 = arith.constant 0 : i32
        %dma_wait3A_32 = tpu.memref_slice %arg5[%dma_wait3A_30, %dma_wait3A_31] : memref<10000x128xf32, #tpu.memory_space<hbm>> -> memref<640x128xf32, #tpu.memory_space<hbm>>
        tpu.wait_dma2 semaphore(%run_scoped3A : memref<!tpu.dma_semaphore, #tpu.memory_space<semaphore_mem>>) src(%dma_wait3A_32 : memref<640x128xf32, #tpu.memory_space<hbm>>) dst(%dma_wait3A_29 : memref<640x128xf32, #tpu.memory_space<vmem_shared>>)
        tpu.yield
      }) : () -> ()
    } else {
    }
    %barrier3A = arith.constant 0 : index
    tpu.barrier barrier_id(%barrier3A)
    %scan3A = arith.constant 0 : i32
    %scan3A_6 = arith.constant 0 : i32
    %scan3A_7 = arith.constant 125 : i32
    %scan3A_8 = arith.addi %scan3A_6, %scan3A_7 : i32
    %scan3A_9 = arith.constant 1 : i32
    %scan3A_10 = scf.for %scan3A_23 = %scan3A_6 to %scan3A_8 step %scan3A_9 iter_args(%scan3A_24 = %scan3A) -> (i32)  : i32 {
      %mul3A = arith.constant 160000 : i32
      %mul3A_25 = arith.muli %arg0, %mul3A : i32
      %mul3A_26 = arith.constant 10000 : i32
      %mul3A_27 = arith.muli %arg1, %mul3A_26 : i32
      %add3A = arith.addi %mul3A_25, %mul3A_27 : i32
      %mul3A_28 = arith.constant 80 : i32
      %mul3A_29 = arith.muli %scan3A_23, %mul3A_28 : i32
      %add3A_30 = arith.addi %add3A, %mul3A_29 : i32
      "tpu.region"() ({
        %run_scoped3A = tpu.sem_alloc : memref<!tpu.dma_semaphore, #tpu.memory_space<semaphore_mem>>
        %dma_start3A = tpu.memref_slice %arg3[%add3A_30] : memref<320000xi32, #tpu.memory_space<hbm>> -> memref<80xi32, #tpu.memory_space<hbm>>
        %dma_start3A_32 = tpu.memref_slice %arg3[%add3A_30] : memref<320000xi32, #tpu.memory_space<hbm>> -> memref<80xi32, #tpu.memory_space<hbm>>
        tpu.enqueue_dma source(%dma_start3A_32 : memref<80xi32, #tpu.memory_space<hbm>>) target(%arg7 : memref<80xi32, #tpu.memory_space<vmem>>) target_semaphore(%run_scoped3A : memref<!tpu.dma_semaphore, #tpu.memory_space<semaphore_mem>>)
        %dma_wait3A = tpu.memref_slice %arg3[%add3A_30] : memref<320000xi32, #tpu.memory_space<hbm>> -> memref<80xi32, #tpu.memory_space<hbm>>
        %dma_wait3A_33 = tpu.memref_slice %arg3[%add3A_30] : memref<320000xi32, #tpu.memory_space<hbm>> -> memref<80xi32, #tpu.memory_space<hbm>>
        tpu.wait_dma2 semaphore(%run_scoped3A : memref<!tpu.dma_semaphore, #tpu.memory_space<semaphore_mem>>) src(%dma_wait3A_33 : memref<80xi32, #tpu.memory_space<hbm>>) dst(%arg7 : memref<80xi32, #tpu.memory_space<vmem>>)
        tpu.yield
      }) : () -> ()
      "tpu.region"() ({
        %run_scoped3A = tpu.sem_alloc : memref<!tpu.dma_semaphore, #tpu.memory_space<semaphore_mem>>
        %dma_start3A = tpu.memref_slice %arg4[%add3A_30] : memref<320000xi32, #tpu.memory_space<hbm>> -> memref<80xi32, #tpu.memory_space<hbm>>
        %dma_start3A_32 = tpu.memref_slice %arg4[%add3A_30] : memref<320000xi32, #tpu.memory_space<hbm>> -> memref<80xi32, #tpu.memory_space<hbm>>
        tpu.enqueue_dma source(%dma_start3A_32 : memref<80xi32, #tpu.memory_space<hbm>>) target(%arg8 : memref<80xi32, #tpu.memory_space<vmem>>) target_semaphore(%run_scoped3A : memref<!tpu.dma_semaphore, #tpu.memory_space<semaphore_mem>>)
        %dma_wait3A = tpu.memref_slice %arg4[%add3A_30] : memref<320000xi32, #tpu.memory_space<hbm>> -> memref<80xi32, #tpu.memory_space<hbm>>
        %dma_wait3A_33 = tpu.memref_slice %arg4[%add3A_30] : memref<320000xi32, #tpu.memory_space<hbm>> -> memref<80xi32, #tpu.memory_space<hbm>>
        tpu.wait_dma2 semaphore(%run_scoped3A : memref<!tpu.dma_semaphore, #tpu.memory_space<semaphore_mem>>) src(%dma_wait3A_33 : memref<80xi32, #tpu.memory_space<hbm>>) dst(%arg8 : memref<80xi32, #tpu.memory_space<vmem>>)
        tpu.yield
      }) : () -> ()
      "tpu.region"() ({
        %run_scoped3A = tpu.sem_alloc : memref<!tpu.dma_semaphore, #tpu.memory_space<semaphore_mem>>
        %dma_start3A = arith.constant 0 : i32
        %dma_start3A_32 = arith.constant 0 : i32
        %dma_start3A_33 = tpu.memref_slice %arg2[%dma_start3A, %dma_start3A_32] : memref<10000x128xf32, #tpu.memory_space<hbm>> -> memref<10000x128xf32, #tpu.memory_space<hbm>>
        tpu.enqueue_indirect_dma source(%dma_start3A_33 : memref<10000x128xf32, #tpu.memory_space<hbm>>) target(%arg9 : memref<80x128xf32, #tpu.memory_space<vmem>>) offsets(%arg7 : memref<80xi32, #tpu.memory_space<vmem>>) semaphore(%run_scoped3A : memref<!tpu.dma_semaphore, #tpu.memory_space<semaphore_mem>>)
        %dma_wait3A = arith.constant 0 : i32
        %dma_wait3A_34 = arith.constant 0 : i32
        %dma_wait3A_35 = tpu.memref_slice %arg2[%dma_wait3A, %dma_wait3A_34] : memref<10000x128xf32, #tpu.memory_space<hbm>> -> memref<10000x128xf32, #tpu.memory_space<hbm>>
        tpu.wait_indirect_dma semaphore(%run_scoped3A : memref<!tpu.dma_semaphore, #tpu.memory_space<semaphore_mem>>) src(%dma_wait3A_35 : memref<10000x128xf32, #tpu.memory_space<hbm>>) dst(%arg9 : memref<80x128xf32, #tpu.memory_space<vmem>>)
        tpu.yield
      }) : () -> ()
      "tpu.region"() ({
        %run_scoped3A = tpu.sem_alloc : memref<!tpu.dma_semaphore, #tpu.memory_space<semaphore_mem>>
        %dma_start3A = arith.constant 0 : i32
        %dma_start3A_32 = arith.constant 0 : i32
        %dma_start3A_33 = tpu.memref_slice %arg10[%dma_start3A, %dma_start3A_32] : memref<10000x128xf32, #tpu.memory_space<vmem_shared>> -> memref<10000x128xf32, #tpu.memory_space<vmem_shared>>
        tpu.enqueue_indirect_dma source(%arg9 : memref<80x128xf32, #tpu.memory_space<vmem>>) target(%dma_start3A_33 : memref<10000x128xf32, #tpu.memory_space<vmem_shared>>) offsets(%arg8 : memref<80xi32, #tpu.memory_space<vmem>>) semaphore(%run_scoped3A : memref<!tpu.dma_semaphore, #tpu.memory_space<semaphore_mem>>) {add = true}
        %dma_wait3A = arith.constant 0 : i32
        %dma_wait3A_34 = arith.constant 0 : i32
        %dma_wait3A_35 = tpu.memref_slice %arg10[%dma_wait3A, %dma_wait3A_34] : memref<10000x128xf32, #tpu.memory_space<vmem_shared>> -> memref<10000x128xf32, #tpu.memory_space<vmem_shared>>
        tpu.wait_indirect_dma semaphore(%run_scoped3A : memref<!tpu.dma_semaphore, #tpu.memory_space<semaphore_mem>>) src(%arg9 : memref<80x128xf32, #tpu.memory_space<vmem>>) dst(%dma_wait3A_35 : memref<10000x128xf32, #tpu.memory_space<vmem_shared>>)
        tpu.yield
      }) : () -> ()
      %scan3A_31 = arith.constant 0 : i32
      scf.yield %scan3A_31 : i32
    }
    %scan3A_11 = arith.constant 125 : i32
    %barrier3A_12 = arith.constant 0 : index
    tpu.barrier barrier_id(%barrier3A_12)
    %lt3A_13 = arith.constant 15 : i32
    %lt3A_14 = arith.cmpi slt, %arg1, %lt3A_13 : i32
    %convert_element_type3A_15 = arith.extui %lt3A_14 : i1 to i32
    %cond3A_16 = arith.constant 0 : i32
    %cond3A_17 = arith.cmpi ne, %convert_element_type3A_15, %cond3A_16 : i32
    scf.if %cond3A_17 {
      %mul3A = arith.constant 624 : i32
      %mul3A_23 = arith.muli %arg1, %mul3A : i32
      %mul3A_24 = arith.constant 624 : i32
      %mul3A_25 = arith.muli %arg1, %mul3A_24 : i32
      "tpu.region"() ({
        %run_scoped3A = tpu.sem_alloc : memref<!tpu.dma_semaphore, #tpu.memory_space<semaphore_mem>>
        %dma_start3A = arith.constant 0 : i32
        %dma_start3A_26 = arith.constant 0 : i32
        %dma_start3A_27 = tpu.memref_slice %arg6[%arg0, %dma_start3A, %dma_start3A_26] : memref<2x10000x128xf32, #tpu.memory_space<hbm>> -> memref<1x10000x128xf32, #tpu.memory_space<hbm>>
        %dma_start3A_28 = tpu.memref_squeeze %dma_start3A_27 : memref<1x10000x128xf32, #tpu.memory_space<hbm>> -> memref<10000x128xf32, #tpu.memory_space<hbm>>
        %dma_start3A_29 = arith.constant 0 : i32
        %dma_start3A_30 = tpu.memref_slice %dma_start3A_28[%mul3A_25, %dma_start3A_29] : memref<10000x128xf32, #tpu.memory_space<hbm>> -> memref<624x128xf32, #tpu.memory_space<hbm>>
        %dma_start3A_31 = arith.constant 0 : i32
        %dma_start3A_32 = tpu.memref_slice %arg10[%mul3A_23, %dma_start3A_31] : memref<10000x128xf32, #tpu.memory_space<vmem_shared>> -> memref<624x128xf32, #tpu.memory_space<vmem_shared>>
        tpu.enqueue_dma source(%dma_start3A_32 : memref<624x128xf32, #tpu.memory_space<vmem_shared>>) target(%dma_start3A_30 : memref<624x128xf32, #tpu.memory_space<hbm>>) target_semaphore(%run_scoped3A : memref<!tpu.dma_semaphore, #tpu.memory_space<semaphore_mem>>)
        %dma_wait3A = arith.constant 0 : i32
        %dma_wait3A_33 = arith.constant 0 : i32
        %dma_wait3A_34 = tpu.memref_slice %arg6[%arg0, %dma_wait3A, %dma_wait3A_33] : memref<2x10000x128xf32, #tpu.memory_space<hbm>> -> memref<1x10000x128xf32, #tpu.memory_space<hbm>>
        %dma_wait3A_35 = tpu.memref_squeeze %dma_wait3A_34 : memref<1x10000x128xf32, #tpu.memory_space<hbm>> -> memref<10000x128xf32, #tpu.memory_space<hbm>>
        %dma_wait3A_36 = arith.constant 0 : i32
        %dma_wait3A_37 = tpu.memref_slice %dma_wait3A_35[%mul3A_25, %dma_wait3A_36] : memref<10000x128xf32, #tpu.memory_space<hbm>> -> memref<624x128xf32, #tpu.memory_space<hbm>>
        %dma_wait3A_38 = arith.constant 0 : i32
        %dma_wait3A_39 = tpu.memref_slice %arg10[%mul3A_23, %dma_wait3A_38] : memref<10000x128xf32, #tpu.memory_space<vmem_shared>> -> memref<624x128xf32, #tpu.memory_space<vmem_shared>>
        tpu.wait_dma2 semaphore(%run_scoped3A : memref<!tpu.dma_semaphore, #tpu.memory_space<semaphore_mem>>) src(%dma_wait3A_39 : memref<624x128xf32, #tpu.memory_space<vmem_shared>>) dst(%dma_wait3A_37 : memref<624x128xf32, #tpu.memory_space<hbm>>)
        tpu.yield
      }) : () -> ()
    } else {
    }
    %eq3A_18 = arith.constant 15 : i32
    %eq3A_19 = arith.cmpi eq, %arg1, %eq3A_18 : i32
    %convert_element_type3A_20 = arith.extui %eq3A_19 : i1 to i32
    %cond3A_21 = arith.constant 0 : i32
    %cond3A_22 = arith.cmpi ne, %convert_element_type3A_20, %cond3A_21 : i32
    scf.if %cond3A_22 {
      "tpu.region"() ({
        %run_scoped3A = tpu.sem_alloc : memref<!tpu.dma_semaphore, #tpu.memory_space<semaphore_mem>>
        %dma_start3A = arith.constant 0 : i32
        %dma_start3A_23 = arith.constant 0 : i32
        %dma_start3A_24 = tpu.memref_slice %arg6[%arg0, %dma_start3A, %dma_start3A_23] : memref<2x10000x128xf32, #tpu.memory_space<hbm>> -> memref<1x10000x128xf32, #tpu.memory_space<hbm>>
        %dma_start3A_25 = tpu.memref_squeeze %dma_start3A_24 : memref<1x10000x128xf32, #tpu.memory_space<hbm>> -> memref<10000x128xf32, #tpu.memory_space<hbm>>
        %dma_start3A_26 = arith.constant 9360 : i32
        %dma_start3A_27 = arith.constant 0 : i32
        %dma_start3A_28 = tpu.memref_slice %dma_start3A_25[%dma_start3A_26, %dma_start3A_27] : memref<10000x128xf32, #tpu.memory_space<hbm>> -> memref<640x128xf32, #tpu.memory_space<hbm>>
        %dma_start3A_29 = arith.constant 9360 : i32
        %dma_start3A_30 = arith.constant 0 : i32
        %dma_start3A_31 = tpu.memref_slice %arg10[%dma_start3A_29, %dma_start3A_30] : memref<10000x128xf32, #tpu.memory_space<vmem_shared>> -> memref<640x128xf32, #tpu.memory_space<vmem_shared>>
        tpu.enqueue_dma source(%dma_start3A_31 : memref<640x128xf32, #tpu.memory_space<vmem_shared>>) target(%dma_start3A_28 : memref<640x128xf32, #tpu.memory_space<hbm>>) target_semaphore(%run_scoped3A : memref<!tpu.dma_semaphore, #tpu.memory_space<semaphore_mem>>)
        %dma_wait3A = arith.constant 0 : i32
        %dma_wait3A_32 = arith.constant 0 : i32
        %dma_wait3A_33 = tpu.memref_slice %arg6[%arg0, %dma_wait3A, %dma_wait3A_32] : memref<2x10000x128xf32, #tpu.memory_space<hbm>> -> memref<1x10000x128xf32, #tpu.memory_space<hbm>>
        %dma_wait3A_34 = tpu.memref_squeeze %dma_wait3A_33 : memref<1x10000x128xf32, #tpu.memory_space<hbm>> -> memref<10000x128xf32, #tpu.memory_space<hbm>>
        %dma_wait3A_35 = arith.constant 9360 : i32
        %dma_wait3A_36 = arith.constant 0 : i32
        %dma_wait3A_37 = tpu.memref_slice %dma_wait3A_34[%dma_wait3A_35, %dma_wait3A_36] : memref<10000x128xf32, #tpu.memory_space<hbm>> -> memref<640x128xf32, #tpu.memory_space<hbm>>
        %dma_wait3A_38 = arith.constant 9360 : i32
        %dma_wait3A_39 = arith.constant 0 : i32
        %dma_wait3A_40 = tpu.memref_slice %arg10[%dma_wait3A_38, %dma_wait3A_39] : memref<10000x128xf32, #tpu.memory_space<vmem_shared>> -> memref<640x128xf32, #tpu.memory_space<vmem_shared>>
        tpu.wait_dma2 semaphore(%run_scoped3A : memref<!tpu.dma_semaphore, #tpu.memory_space<semaphore_mem>>) src(%dma_wait3A_40 : memref<640x128xf32, #tpu.memory_space<vmem_shared>>) dst(%dma_wait3A_37 : memref<640x128xf32, #tpu.memory_space<hbm>>)
        tpu.yield
      }) : () -> ()
    } else {
    }
    return
  }
}

#map = affine_map<(d0, d1) -> (0, 0)>
#map1 = affine_map<(d0, d1) -> (0)>
#map2 = affine_map<(d0, d1) -> (0, 0, 0)>
module attributes {stable_mosaic.version = 14 : i64} {
  func.func @_agg_body(%arg0: i32, %arg1: i32, %arg2: memref<10000x128xf32, #tpu.memory_space<hbm>>, %arg3: memref<320000xi32, #tpu.memory_space<hbm>>, %arg4: memref<320000xi32, #tpu.memory_space<hbm>>, %arg5: memref<10000x128xf32, #tpu.memory_space<hbm>>, %arg6: memref<2x10000x128xf32, #tpu.memory_space<hbm>>, %arg7: memref<80xi32, #tpu.memory_space<vmem>>, %arg8: memref<80xi32, #tpu.memory_space<vmem>>, %arg9: memref<80x128xf32, #tpu.memory_space<vmem>>, %arg10: memref<10000x128xf32, #tpu.memory_space<vmem_shared>>) attributes {dimension_semantics = [#tpu.dimension_semantics<core_parallel>, #tpu.dimension_semantics<subcore_parallel>], iteration_bounds = array<i64: 2, 16>, scalar_prefetch = 0 : i64, scratch_operands = 4 : i64, tpu.core_type = #tpu.core_type<sc_vector_subcore>, window_params = [{transform_indices = #map}, {transform_indices = #map1}, {transform_indices = #map1}, {transform_indices = #map}, {transform_indices = #map2}]} {
    %lt3A = arith.constant 15 : i32
    %lt3A_0 = arith.cmpi slt, %arg1, %lt3A : i32
    %convert_element_type3A = arith.extui %lt3A_0 : i1 to i32
    %cond3A = arith.constant 0 : i32
    %cond3A_1 = arith.cmpi ne, %convert_element_type3A, %cond3A : i32
    scf.if %cond3A_1 {
      %mul3A = arith.constant 624 : i32
      %mul3A_23 = arith.muli %arg1, %mul3A : i32
      %mul3A_24 = arith.constant 624 : i32
      %mul3A_25 = arith.muli %arg1, %mul3A_24 : i32
      "tpu.region"() ({
        %run_scoped3A = tpu.sem_alloc : memref<!tpu.dma_semaphore, #tpu.memory_space<semaphore_mem>>
        %dma_start3A = arith.constant 0 : i32
        %dma_start3A_26 = tpu.memref_slice %arg10[%mul3A_25, %dma_start3A] : memref<10000x128xf32, #tpu.memory_space<vmem_shared>> -> memref<624x128xf32, #tpu.memory_space<vmem_shared>>
        %dma_start3A_27 = arith.constant 0 : i32
        %dma_start3A_28 = tpu.memref_slice %arg5[%mul3A_23, %dma_start3A_27] : memref<10000x128xf32, #tpu.memory_space<hbm>> -> memref<624x128xf32, #tpu.memory_space<hbm>>
        tpu.enqueue_dma source(%dma_start3A_28 : memref<624x128xf32, #tpu.memory_space<hbm>>) target(%dma_start3A_26 : memref<624x128xf32, #tpu.memory_space<vmem_shared>>) target_semaphore(%run_scoped3A : memref<!tpu.dma_semaphore, #tpu.memory_space<semaphore_mem>>)
        %dma_wait3A = arith.constant 0 : i32
        %dma_wait3A_29 = tpu.memref_slice %arg10[%mul3A_25, %dma_wait3A] : memref<10000x128xf32, #tpu.memory_space<vmem_shared>> -> memref<624x128xf32, #tpu.memory_space<vmem_shared>>
        %dma_wait3A_30 = arith.constant 0 : i32
        %dma_wait3A_31 = tpu.memref_slice %arg5[%mul3A_23, %dma_wait3A_30] : memref<10000x128xf32, #tpu.memory_space<hbm>> -> memref<624x128xf32, #tpu.memory_space<hbm>>
        tpu.wait_dma2 semaphore(%run_scoped3A : memref<!tpu.dma_semaphore, #tpu.memory_space<semaphore_mem>>) src(%dma_wait3A_31 : memref<624x128xf32, #tpu.memory_space<hbm>>) dst(%dma_wait3A_29 : memref<624x128xf32, #tpu.memory_space<vmem_shared>>)
        tpu.yield
      }) : () -> ()
    } else {
    }
    %eq3A = arith.constant 15 : i32
    %eq3A_2 = arith.cmpi eq, %arg1, %eq3A : i32
    %convert_element_type3A_3 = arith.extui %eq3A_2 : i1 to i32
    %cond3A_4 = arith.constant 0 : i32
    %cond3A_5 = arith.cmpi ne, %convert_element_type3A_3, %cond3A_4 : i32
    scf.if %cond3A_5 {
      "tpu.region"() ({
        %run_scoped3A = tpu.sem_alloc : memref<!tpu.dma_semaphore, #tpu.memory_space<semaphore_mem>>
        %dma_start3A = arith.constant 9360 : i32
        %dma_start3A_23 = arith.constant 0 : i32
        %dma_start3A_24 = tpu.memref_slice %arg10[%dma_start3A, %dma_start3A_23] : memref<10000x128xf32, #tpu.memory_space<vmem_shared>> -> memref<640x128xf32, #tpu.memory_space<vmem_shared>>
        %dma_start3A_25 = arith.constant 9360 : i32
        %dma_start3A_26 = arith.constant 0 : i32
        %dma_start3A_27 = tpu.memref_slice %arg5[%dma_start3A_25, %dma_start3A_26] : memref<10000x128xf32, #tpu.memory_space<hbm>> -> memref<640x128xf32, #tpu.memory_space<hbm>>
        tpu.enqueue_dma source(%dma_start3A_27 : memref<640x128xf32, #tpu.memory_space<hbm>>) target(%dma_start3A_24 : memref<640x128xf32, #tpu.memory_space<vmem_shared>>) target_semaphore(%run_scoped3A : memref<!tpu.dma_semaphore, #tpu.memory_space<semaphore_mem>>)
        %dma_wait3A = arith.constant 9360 : i32
        %dma_wait3A_28 = arith.constant 0 : i32
        %dma_wait3A_29 = tpu.memref_slice %arg10[%dma_wait3A, %dma_wait3A_28] : memref<10000x128xf32, #tpu.memory_space<vmem_shared>> -> memref<640x128xf32, #tpu.memory_space<vmem_shared>>
        %dma_wait3A_30 = arith.constant 9360 : i32
        %dma_wait3A_31 = arith.constant 0 : i32
        %dma_wait3A_32 = tpu.memref_slice %arg5[%dma_wait3A_30, %dma_wait3A_31] : memref<10000x128xf32, #tpu.memory_space<hbm>> -> memref<640x128xf32, #tpu.memory_space<hbm>>
        tpu.wait_dma2 semaphore(%run_scoped3A : memref<!tpu.dma_semaphore, #tpu.memory_space<semaphore_mem>>) src(%dma_wait3A_32 : memref<640x128xf32, #tpu.memory_space<hbm>>) dst(%dma_wait3A_29 : memref<640x128xf32, #tpu.memory_space<vmem_shared>>)
        tpu.yield
      }) : () -> ()
    } else {
    }
    %barrier3A = arith.constant 0 : index
    tpu.barrier barrier_id(%barrier3A)
    %scan3A = arith.constant 0 : i32
    %scan3A_6 = arith.constant 0 : i32
    %scan3A_7 = arith.constant 125 : i32
    %scan3A_8 = arith.addi %scan3A_6, %scan3A_7 : i32
    %scan3A_9 = arith.constant 1 : i32
    %scan3A_10 = scf.for %scan3A_23 = %scan3A_6 to %scan3A_8 step %scan3A_9 iter_args(%scan3A_24 = %scan3A) -> (i32)  : i32 {
      %mul3A = arith.constant 160000 : i32
      %mul3A_25 = arith.muli %arg0, %mul3A : i32
      %mul3A_26 = arith.constant 10000 : i32
      %mul3A_27 = arith.muli %arg1, %mul3A_26 : i32
      %add3A = arith.addi %mul3A_25, %mul3A_27 : i32
      %mul3A_28 = arith.constant 80 : i32
      %mul3A_29 = arith.muli %scan3A_23, %mul3A_28 : i32
      %add3A_30 = arith.addi %add3A, %mul3A_29 : i32
      "tpu.region"() ({
        %run_scoped3A = tpu.sem_alloc : memref<!tpu.dma_semaphore, #tpu.memory_space<semaphore_mem>>
        %dma_start3A = tpu.memref_slice %arg3[%add3A_30] : memref<320000xi32, #tpu.memory_space<hbm>> -> memref<80xi32, #tpu.memory_space<hbm>>
        %dma_start3A_32 = tpu.memref_slice %arg3[%add3A_30] : memref<320000xi32, #tpu.memory_space<hbm>> -> memref<80xi32, #tpu.memory_space<hbm>>
        tpu.enqueue_dma source(%dma_start3A_32 : memref<80xi32, #tpu.memory_space<hbm>>) target(%arg7 : memref<80xi32, #tpu.memory_space<vmem>>) target_semaphore(%run_scoped3A : memref<!tpu.dma_semaphore, #tpu.memory_space<semaphore_mem>>)
        %dma_wait3A = tpu.memref_slice %arg3[%add3A_30] : memref<320000xi32, #tpu.memory_space<hbm>> -> memref<80xi32, #tpu.memory_space<hbm>>
        %dma_wait3A_33 = tpu.memref_slice %arg3[%add3A_30] : memref<320000xi32, #tpu.memory_space<hbm>> -> memref<80xi32, #tpu.memory_space<hbm>>
        tpu.wait_dma2 semaphore(%run_scoped3A : memref<!tpu.dma_semaphore, #tpu.memory_space<semaphore_mem>>) src(%dma_wait3A_33 : memref<80xi32, #tpu.memory_space<hbm>>) dst(%arg7 : memref<80xi32, #tpu.memory_space<vmem>>)
        tpu.yield
      }) : () -> ()
      "tpu.region"() ({
        %run_scoped3A = tpu.sem_alloc : memref<!tpu.dma_semaphore, #tpu.memory_space<semaphore_mem>>
        %dma_start3A = tpu.memref_slice %arg4[%add3A_30] : memref<320000xi32, #tpu.memory_space<hbm>> -> memref<80xi32, #tpu.memory_space<hbm>>
        %dma_start3A_32 = tpu.memref_slice %arg4[%add3A_30] : memref<320000xi32, #tpu.memory_space<hbm>> -> memref<80xi32, #tpu.memory_space<hbm>>
        tpu.enqueue_dma source(%dma_start3A_32 : memref<80xi32, #tpu.memory_space<hbm>>) target(%arg8 : memref<80xi32, #tpu.memory_space<vmem>>) target_semaphore(%run_scoped3A : memref<!tpu.dma_semaphore, #tpu.memory_space<semaphore_mem>>)
        %dma_wait3A = tpu.memref_slice %arg4[%add3A_30] : memref<320000xi32, #tpu.memory_space<hbm>> -> memref<80xi32, #tpu.memory_space<hbm>>
        %dma_wait3A_33 = tpu.memref_slice %arg4[%add3A_30] : memref<320000xi32, #tpu.memory_space<hbm>> -> memref<80xi32, #tpu.memory_space<hbm>>
        tpu.wait_dma2 semaphore(%run_scoped3A : memref<!tpu.dma_semaphore, #tpu.memory_space<semaphore_mem>>) src(%dma_wait3A_33 : memref<80xi32, #tpu.memory_space<hbm>>) dst(%arg8 : memref<80xi32, #tpu.memory_space<vmem>>)
        tpu.yield
      }) : () -> ()
      "tpu.region"() ({
        %run_scoped3A = tpu.sem_alloc : memref<!tpu.dma_semaphore, #tpu.memory_space<semaphore_mem>>
        %dma_start3A = arith.constant 0 : i32
        %dma_start3A_32 = arith.constant 0 : i32
        %dma_start3A_33 = tpu.memref_slice %arg2[%dma_start3A, %dma_start3A_32] : memref<10000x128xf32, #tpu.memory_space<hbm>> -> memref<10000x128xf32, #tpu.memory_space<hbm>>
        tpu.enqueue_indirect_dma source(%dma_start3A_33 : memref<10000x128xf32, #tpu.memory_space<hbm>>) target(%arg9 : memref<80x128xf32, #tpu.memory_space<vmem>>) offsets(%arg7 : memref<80xi32, #tpu.memory_space<vmem>>) semaphore(%run_scoped3A : memref<!tpu.dma_semaphore, #tpu.memory_space<semaphore_mem>>)
        %dma_wait3A = arith.constant 0 : i32
        %dma_wait3A_34 = arith.constant 0 : i32
        %dma_wait3A_35 = tpu.memref_slice %arg2[%dma_wait3A, %dma_wait3A_34] : memref<10000x128xf32, #tpu.memory_space<hbm>> -> memref<10000x128xf32, #tpu.memory_space<hbm>>
        tpu.wait_indirect_dma semaphore(%run_scoped3A : memref<!tpu.dma_semaphore, #tpu.memory_space<semaphore_mem>>) src(%dma_wait3A_35 : memref<10000x128xf32, #tpu.memory_space<hbm>>) dst(%arg9 : memref<80x128xf32, #tpu.memory_space<vmem>>)
        tpu.yield
      }) : () -> ()
      "tpu.region"() ({
        %run_scoped3A = tpu.sem_alloc : memref<!tpu.dma_semaphore, #tpu.memory_space<semaphore_mem>>
        %dma_start3A = arith.constant 0 : i32
        %dma_start3A_32 = arith.constant 0 : i32
        %dma_start3A_33 = tpu.memref_slice %arg10[%dma_start3A, %dma_start3A_32] : memref<10000x128xf32, #tpu.memory_space<vmem_shared>> -> memref<10000x128xf32, #tpu.memory_space<vmem_shared>>
        tpu.enqueue_indirect_dma source(%arg9 : memref<80x128xf32, #tpu.memory_space<vmem>>) target(%dma_start3A_33 : memref<10000x128xf32, #tpu.memory_space<vmem_shared>>) offsets(%arg8 : memref<80xi32, #tpu.memory_space<vmem>>) semaphore(%run_scoped3A : memref<!tpu.dma_semaphore, #tpu.memory_space<semaphore_mem>>) {add = true}
        %dma_wait3A = arith.constant 0 : i32
        %dma_wait3A_34 = arith.constant 0 : i32
        %dma_wait3A_35 = tpu.memref_slice %arg10[%dma_wait3A, %dma_wait3A_34] : memref<10000x128xf32, #tpu.memory_space<vmem_shared>> -> memref<10000x128xf32, #tpu.memory_space<vmem_shared>>
        tpu.wait_indirect_dma semaphore(%run_scoped3A : memref<!tpu.dma_semaphore, #tpu.memory_space<semaphore_mem>>) src(%arg9 : memref<80x128xf32, #tpu.memory_space<vmem>>) dst(%dma_wait3A_35 : memref<10000x128xf32, #tpu.memory_space<vmem_shared>>)
        tpu.yield
      }) : () -> ()
      %scan3A_31 = arith.constant 0 : i32
      scf.yield %scan3A_31 : i32
    }
    %scan3A_11 = arith.constant 125 : i32
    %barrier3A_12 = arith.constant 0 : index
    tpu.barrier barrier_id(%barrier3A_12)
    %lt3A_13 = arith.constant 15 : i32
    %lt3A_14 = arith.cmpi slt, %arg1, %lt3A_13 : i32
    %convert_element_type3A_15 = arith.extui %lt3A_14 : i1 to i32
    %cond3A_16 = arith.constant 0 : i32
    %cond3A_17 = arith.cmpi ne, %convert_element_type3A_15, %cond3A_16 : i32
    scf.if %cond3A_17 {
      %mul3A = arith.constant 624 : i32
      %mul3A_23 = arith.muli %arg1, %mul3A : i32
      %mul3A_24 = arith.constant 624 : i32
      %mul3A_25 = arith.muli %arg1, %mul3A_24 : i32
      "tpu.region"() ({
        %run_scoped3A = tpu.sem_alloc : memref<!tpu.dma_semaphore, #tpu.memory_space<semaphore_mem>>
        %dma_start3A = arith.constant 0 : i32
        %dma_start3A_26 = arith.constant 0 : i32
        %dma_start3A_27 = tpu.memref_slice %arg6[%arg0, %dma_start3A, %dma_start3A_26] : memref<2x10000x128xf32, #tpu.memory_space<hbm>> -> memref<1x10000x128xf32, #tpu.memory_space<hbm>>
        %dma_start3A_28 = tpu.memref_squeeze %dma_start3A_27 : memref<1x10000x128xf32, #tpu.memory_space<hbm>> -> memref<10000x128xf32, #tpu.memory_space<hbm>>
        %dma_start3A_29 = arith.constant 0 : i32
        %dma_start3A_30 = tpu.memref_slice %dma_start3A_28[%mul3A_25, %dma_start3A_29] : memref<10000x128xf32, #tpu.memory_space<hbm>> -> memref<624x128xf32, #tpu.memory_space<hbm>>
        %dma_start3A_31 = arith.constant 0 : i32
        %dma_start3A_32 = tpu.memref_slice %arg10[%mul3A_23, %dma_start3A_31] : memref<10000x128xf32, #tpu.memory_space<vmem_shared>> -> memref<624x128xf32, #tpu.memory_space<vmem_shared>>
        tpu.enqueue_dma source(%dma_start3A_32 : memref<624x128xf32, #tpu.memory_space<vmem_shared>>) target(%dma_start3A_30 : memref<624x128xf32, #tpu.memory_space<hbm>>) target_semaphore(%run_scoped3A : memref<!tpu.dma_semaphore, #tpu.memory_space<semaphore_mem>>)
        %dma_wait3A = arith.constant 0 : i32
        %dma_wait3A_33 = arith.constant 0 : i32
        %dma_wait3A_34 = tpu.memref_slice %arg6[%arg0, %dma_wait3A, %dma_wait3A_33] : memref<2x10000x128xf32, #tpu.memory_space<hbm>> -> memref<1x10000x128xf32, #tpu.memory_space<hbm>>
        %dma_wait3A_35 = tpu.memref_squeeze %dma_wait3A_34 : memref<1x10000x128xf32, #tpu.memory_space<hbm>> -> memref<10000x128xf32, #tpu.memory_space<hbm>>
        %dma_wait3A_36 = arith.constant 0 : i32
        %dma_wait3A_37 = tpu.memref_slice %dma_wait3A_35[%mul3A_25, %dma_wait3A_36] : memref<10000x128xf32, #tpu.memory_space<hbm>> -> memref<624x128xf32, #tpu.memory_space<hbm>>
        %dma_wait3A_38 = arith.constant 0 : i32
        %dma_wait3A_39 = tpu.memref_slice %arg10[%mul3A_23, %dma_wait3A_38] : memref<10000x128xf32, #tpu.memory_space<vmem_shared>> -> memref<624x128xf32, #tpu.memory_space<vmem_shared>>
        tpu.wait_dma2 semaphore(%run_scoped3A : memref<!tpu.dma_semaphore, #tpu.memory_space<semaphore_mem>>) src(%dma_wait3A_39 : memref<624x128xf32, #tpu.memory_space<vmem_shared>>) dst(%dma_wait3A_37 : memref<624x128xf32, #tpu.memory_space<hbm>>)
        tpu.yield
      }) : () -> ()
    } else {
    }
    %eq3A_18 = arith.constant 15 : i32
    %eq3A_19 = arith.cmpi eq, %arg1, %eq3A_18 : i32
    %convert_element_type3A_20 = arith.extui %eq3A_19 : i1 to i32
    %cond3A_21 = arith.constant 0 : i32
    %cond3A_22 = arith.cmpi ne, %convert_element_type3A_20, %cond3A_21 : i32
    scf.if %cond3A_22 {
      "tpu.region"() ({
        %run_scoped3A = tpu.sem_alloc : memref<!tpu.dma_semaphore, #tpu.memory_space<semaphore_mem>>
        %dma_start3A = arith.constant 0 : i32
        %dma_start3A_23 = arith.constant 0 : i32
        %dma_start3A_24 = tpu.memref_slice %arg6[%arg0, %dma_start3A, %dma_start3A_23] : memref<2x10000x128xf32, #tpu.memory_space<hbm>> -> memref<1x10000x128xf32, #tpu.memory_space<hbm>>
        %dma_start3A_25 = tpu.memref_squeeze %dma_start3A_24 : memref<1x10000x128xf32, #tpu.memory_space<hbm>> -> memref<10000x128xf32, #tpu.memory_space<hbm>>
        %dma_start3A_26 = arith.constant 9360 : i32
        %dma_start3A_27 = arith.constant 0 : i32
        %dma_start3A_28 = tpu.memref_slice %dma_start3A_25[%dma_start3A_26, %dma_start3A_27] : memref<10000x128xf32, #tpu.memory_space<hbm>> -> memref<640x128xf32, #tpu.memory_space<hbm>>
        %dma_start3A_29 = arith.constant 9360 : i32
        %dma_start3A_30 = arith.constant 0 : i32
        %dma_start3A_31 = tpu.memref_slice %arg10[%dma_start3A_29, %dma_start3A_30] : memref<10000x128xf32, #tpu.memory_space<vmem_shared>> -> memref<640x128xf32, #tpu.memory_space<vmem_shared>>
        tpu.enqueue_dma source(%dma_start3A_31 : memref<640x128xf32, #tpu.memory_space<vmem_shared>>) target(%dma_start3A_28 : memref<640x128xf32, #tpu.memory_space<hbm>>) target_semaphore(%run_scoped3A : memref<!tpu.dma_semaphore, #tpu.memory_space<semaphore_mem>>)
        %dma_wait3A = arith.constant 0 : i32
        %dma_wait3A_32 = arith.constant 0 : i32
        %dma_wait3A_33 = tpu.memref_slice %arg6[%arg0, %dma_wait3A, %dma_wait3A_32] : memref<2x10000x128xf32, #tpu.memory_space<hbm>> -> memref<1x10000x128xf32, #tpu.memory_space<hbm>>
        %dma_wait3A_34 = tpu.memref_squeeze %dma_wait3A_33 : memref<1x10000x128xf32, #tpu.memory_space<hbm>> -> memref<10000x128xf32, #tpu.memory_space<hbm>>
        %dma_wait3A_35 = arith.constant 9360 : i32
        %dma_wait3A_36 = arith.constant 0 : i32
        %dma_wait3A_37 = tpu.memref_slice %dma_wait3A_34[%dma_wait3A_35, %dma_wait3A_36] : memref<10000x128xf32, #tpu.memory_space<hbm>> -> memref<640x128xf32, #tpu.memory_space<hbm>>
        %dma_wait3A_38 = arith.constant 9360 : i32
        %dma_wait3A_39 = arith.constant 0 : i32
        %dma_wait3A_40 = tpu.memref_slice %arg10[%dma_wait3A_38, %dma_wait3A_39] : memref<10000x128xf32, #tpu.memory_space<vmem_shared>> -> memref<640x128xf32, #tpu.memory_space<vmem_shared>>
        tpu.wait_dma2 semaphore(%run_scoped3A : memref<!tpu.dma_semaphore, #tpu.memory_space<semaphore_mem>>) src(%dma_wait3A_40 : memref<640x128xf32, #tpu.memory_space<vmem_shared>>) dst(%dma_wait3A_37 : memref<640x128xf32, #tpu.memory_space<hbm>>)
        tpu.yield
      }) : () -> ()
    } else {
    }
    return
  }
}

module attributes {stable_mosaic.version = 14 : i64} {
  func.func @_tc1_body(%arg0: i32, %arg1: memref<2000x128xf32, #tpu.memory_space<vmem>>, %arg2: memref<128x128xf32, #tpu.memory_space<vmem>>, %arg3: memref<2000x1xf32, #tpu.memory_space<vmem>>, %arg4: memref<2000x1xf32, #tpu.memory_space<vmem>>, %arg5: memref<2000x128xf32, #tpu.memory_space<vmem>>, %arg6: memref<2000x1xf32, #tpu.memory_space<vmem>>) attributes {dimension_semantics = [#tpu.dimension_semantics<arbitrary>], iteration_bounds = array<i64: 5>, scalar_prefetch = 0 : i64, scratch_operands = 0 : i64, tpu.core_type = #tpu.core_type<tc>, window_params = [{transform_indices = @transform_0, window_bounds = array<i64: 2000, 128>}, {pipeline_mode = #tpu.pipeline_mode<synchronous>, transform_indices = @transform_1, window_bounds = array<i64: 128, 128>}, {transform_indices = @transform_2, window_bounds = array<i64: 2000, 1>}, {transform_indices = @transform_3, window_bounds = array<i64: 2000, 1>}, {transform_indices = @transform_4, window_bounds = array<i64: 2000, 128>}, {transform_indices = @transform_5, window_bounds = array<i64: 2000, 1>}]} {
    %get3A = arith.constant 0 : index
    %get3A_0 = arith.constant 0 : index
    %get3A_1 = vector.load %arg3[%get3A, %get3A_0] : memref<2000x1xf32, #tpu.memory_space<vmem>>, vector<2000x1xf32>
    %get3A_2 = arith.constant 0 : index
    %get3A_3 = arith.constant 0 : index
    %get3A_4 = vector.load %arg4[%get3A_2, %get3A_3] : memref<2000x1xf32, #tpu.memory_space<vmem>>, vector<2000x1xf32>
    %add3A = arith.addf %get3A_1, %get3A_4 : vector<2000x1xf32>
    %add3A_5 = arith.constant 1.000000e+00 : f32
    %add3A_6 = vector.broadcast %add3A_5 : f32 to vector<2000x1xf32>
    %add3A_7 = arith.addf %add3A, %add3A_6 : vector<2000x1xf32>
    %rsqrt3A = math.rsqrt %add3A_7 : vector<2000x1xf32>
    %swap3A = arith.constant 0 : index
    %swap3A_8 = arith.constant 0 : index
    %swap3A_9 = vector.load %arg6[%swap3A, %swap3A_8] : memref<2000x1xf32, #tpu.memory_space<vmem>>, vector<2000x1xf32>
    tpu.vector_store %arg6[%swap3A, %swap3A_8], %rsqrt3A {strides = array<i32>} : memref<2000x1xf32, #tpu.memory_space<vmem>>, vector<2000x1xf32>,
    %get3A_10 = arith.constant 0 : index
    %get3A_11 = arith.constant 0 : index
    %get3A_12 = vector.load %arg1[%get3A_10, %get3A_11] : memref<2000x128xf32, #tpu.memory_space<vmem>>, vector<2000x128xf32>
    %get3A_13 = arith.constant 0 : index
    %get3A_14 = arith.constant 0 : index
    %get3A_15 = vector.load %arg2[%get3A_13, %get3A_14] : memref<128x128xf32, #tpu.memory_space<vmem>>, vector<128x128xf32>
    %dot_general3A = arith.constant dense<0.000000e+00> : vector<2000x128xf32>
    %dot_general3A_16 = tpu.matmul %get3A_12, %get3A_15, %dot_general3A {dimension_numbers = #tpu.dot_dimension_numbers<[1], [0], [0], [1], [0, 0, 1, 1], [], []>, transpose_lhs_hint = false} : vector<2000x128xf32>, vector<128x128xf32>, vector<2000x128xf32> -> vector<2000x128xf32>
    %mul3A = vector.broadcast %rsqrt3A : vector<2000x1xf32> to vector<2000x128xf32>
    %mul3A_17 = arith.mulf %dot_general3A_16, %mul3A : vector<2000x128xf32>
    %swap3A_18 = arith.constant 0 : index
    %swap3A_19 = arith.constant 0 : index
    %swap3A_20 = vector.load %arg5[%swap3A_18, %swap3A_19] : memref<2000x128xf32, #tpu.memory_space<vmem>>, vector<2000x128xf32>
    tpu.vector_store %arg5[%swap3A_18, %swap3A_19], %mul3A_17 {strides = array<i32>} : memref<2000x128xf32, #tpu.memory_space<vmem>>, vector<2000x128xf32>,
    return
  }
  func.func @transform_0(%arg0: i32) -> (i32, i32) {
    %c0_i32 = arith.constant 0 : i32
    %c0_i32_0 = arith.constant 0 : i32
    return %arg0, %c0_i32 : i32, i32
  }
  func.func @transform_1(%arg0: i32) -> (i32, i32) {
    %c0_i32 = arith.constant 0 : i32
    %c0_i32_0 = arith.constant 0 : i32
    %c0_i32_1 = arith.constant 0 : i32
    return %c0_i32, %c0_i32_0 : i32, i32
  }
  func.func @transform_2(%arg0: i32) -> (i32, i32) {
    %c0_i32 = arith.constant 0 : i32
    %c0_i32_0 = arith.constant 0 : i32
    return %arg0, %c0_i32 : i32, i32
  }
  func.func @transform_3(%arg0: i32) -> (i32, i32) {
    %c0_i32 = arith.constant 0 : i32
    %c0_i32_0 = arith.constant 0 : i32
    return %arg0, %c0_i32 : i32, i32
  }
  func.func @transform_4(%arg0: i32) -> (i32, i32) {
    %c0_i32 = arith.constant 0 : i32
    %c0_i32_0 = arith.constant 0 : i32
    return %arg0, %c0_i32 : i32, i32
  }
  func.func @transform_5(%arg0: i32) -> (i32, i32) {
    %c0_i32 = arith.constant 0 : i32
    %c0_i32_0 = arith.constant 0 : i32
    return %arg0, %c0_i32 : i32, i32
  }
}

module attributes {stable_mosaic.version = 14 : i64} {
  func.func @_tc2_body(%arg0: i32, %arg1: memref<2x2000x128xf32, #tpu.memory_space<vmem>>, %arg2: memref<2000x128xf32, #tpu.memory_space<vmem>>, %arg3: memref<2000x1xf32, #tpu.memory_space<vmem>>, %arg4: memref<1x128xf32, #tpu.memory_space<vmem>>, %arg5: memref<128x128xf32, #tpu.memory_space<vmem>>, %arg6: memref<2000x128xf32, #tpu.memory_space<vmem>>) attributes {dimension_semantics = [#tpu.dimension_semantics<arbitrary>], iteration_bounds = array<i64: 5>, scalar_prefetch = 0 : i64, scratch_operands = 0 : i64, tpu.core_type = #tpu.core_type<tc>, window_params = [{transform_indices = @transform_0, window_bounds = array<i64: 2, 2000, 128>}, {transform_indices = @transform_1, window_bounds = array<i64: 2000, 128>}, {transform_indices = @transform_2, window_bounds = array<i64: 2000, 1>}, {pipeline_mode = #tpu.pipeline_mode<synchronous>, transform_indices = @transform_3, window_bounds = array<i64: 1, 128>}, {pipeline_mode = #tpu.pipeline_mode<synchronous>, transform_indices = @transform_4, window_bounds = array<i64: 128, 128>}, {transform_indices = @transform_5, window_bounds = array<i64: 2000, 128>}]} {
    %get3A = arith.constant 0 : index
    %get3A_0 = arith.constant 0 : index
    %get3A_1 = arith.constant 0 : index
    %get3A_2 = vector.load %arg1[%get3A, %get3A_0, %get3A_1] : memref<2x2000x128xf32, #tpu.memory_space<vmem>>, vector<2x2000x128xf32>
    %slice3A = vector.extract_strided_slice %get3A_2 {offsets = [0, 0, 0], sizes = [1, 2000, 128], strides = [1, 1, 1]} : vector<2x2000x128xf32> to vector<1x2000x128xf32>
    %squeeze3A = vector.shape_cast %slice3A : vector<1x2000x128xf32> to vector<2000x128xf32>
    %slice3A_3 = vector.extract_strided_slice %get3A_2 {offsets = [1, 0, 0], sizes = [1, 2000, 128], strides = [1, 1, 1]} : vector<2x2000x128xf32> to vector<1x2000x128xf32>
    %squeeze3A_4 = vector.shape_cast %slice3A_3 : vector<1x2000x128xf32> to vector<2000x128xf32>
    %add3A = arith.addf %squeeze3A, %squeeze3A_4 : vector<2000x128xf32>
    %get3A_5 = arith.constant 0 : index
    %get3A_6 = arith.constant 0 : index
    %get3A_7 = vector.load %arg2[%get3A_5, %get3A_6] : memref<2000x128xf32, #tpu.memory_space<vmem>>, vector<2000x128xf32>
    %add3A_8 = arith.addf %add3A, %get3A_7 : vector<2000x128xf32>
    %get3A_9 = arith.constant 0 : index
    %get3A_10 = arith.constant 0 : index
    %get3A_11 = vector.load %arg3[%get3A_9, %get3A_10] : memref<2000x1xf32, #tpu.memory_space<vmem>>, vector<2000x1xf32>
    %mul3A = vector.broadcast %get3A_11 : vector<2000x1xf32> to vector<2000x128xf32>
    %mul3A_12 = arith.mulf %add3A_8, %mul3A : vector<2000x128xf32>
    %get3A_13 = arith.constant 0 : index
    %get3A_14 = arith.constant 0 : index
    %get3A_15 = vector.load %arg4[%get3A_13, %get3A_14] : memref<1x128xf32, #tpu.memory_space<vmem>>, vector<1x128xf32>
    %add3A_16 = vector.broadcast %get3A_15 : vector<1x128xf32> to vector<2000x128xf32>
    %add3A_17 = arith.addf %mul3A_12, %add3A_16 : vector<2000x128xf32>
    %max3A = arith.constant 0.000000e+00 : f32
    %max3A_18 = vector.broadcast %max3A : f32 to vector<2000x128xf32>
    %max3A_19 = arith.maximumf %add3A_17, %max3A_18 : vector<2000x128xf32>
    %get3A_20 = arith.constant 0 : index
    %get3A_21 = arith.constant 0 : index
    %get3A_22 = vector.load %arg5[%get3A_20, %get3A_21] : memref<128x128xf32, #tpu.memory_space<vmem>>, vector<128x128xf32>
    %dot_general3A = arith.constant dense<0.000000e+00> : vector<2000x128xf32>
    %dot_general3A_23 = tpu.matmul %max3A_19, %get3A_22, %dot_general3A {dimension_numbers = #tpu.dot_dimension_numbers<[1], [0], [0], [1], [0, 0, 1, 1], [], []>, transpose_lhs_hint = false} : vector<2000x128xf32>, vector<128x128xf32>, vector<2000x128xf32> -> vector<2000x128xf32>
    %get3A_24 = arith.constant 0 : index
    %get3A_25 = arith.constant 0 : index
    %get3A_26 = vector.load %arg3[%get3A_24, %get3A_25] : memref<2000x1xf32, #tpu.memory_space<vmem>>, vector<2000x1xf32>
    %mul3A_27 = vector.broadcast %get3A_26 : vector<2000x1xf32> to vector<2000x128xf32>
    %mul3A_28 = arith.mulf %dot_general3A_23, %mul3A_27 : vector<2000x128xf32>
    %swap3A = arith.constant 0 : index
    %swap3A_29 = arith.constant 0 : index
    %swap3A_30 = vector.load %arg6[%swap3A, %swap3A_29] : memref<2000x128xf32, #tpu.memory_space<vmem>>, vector<2000x128xf32>
    tpu.vector_store %arg6[%swap3A, %swap3A_29], %mul3A_28 {strides = array<i32>} : memref<2000x128xf32, #tpu.memory_space<vmem>>, vector<2000x128xf32>,
    return
  }
  func.func @transform_0(%arg0: i32) -> (i32, i32, i32) {
    %c0_i32 = arith.constant 0 : i32
    %c0_i32_0 = arith.constant 0 : i32
    %c0_i32_1 = arith.constant 0 : i32
    return %c0_i32, %arg0, %c0_i32_0 : i32, i32, i32
  }
  func.func @transform_1(%arg0: i32) -> (i32, i32) {
    %c0_i32 = arith.constant 0 : i32
    %c0_i32_0 = arith.constant 0 : i32
    return %arg0, %c0_i32 : i32, i32
  }
  func.func @transform_2(%arg0: i32) -> (i32, i32) {
    %c0_i32 = arith.constant 0 : i32
    %c0_i32_0 = arith.constant 0 : i32
    return %arg0, %c0_i32 : i32, i32
  }
  func.func @transform_3(%arg0: i32) -> (i32, i32) {
    %c0_i32 = arith.constant 0 : i32
    %c0_i32_0 = arith.constant 0 : i32
    %c0_i32_1 = arith.constant 0 : i32
    return %c0_i32, %c0_i32_0 : i32, i32
  }
  func.func @transform_4(%arg0: i32) -> (i32, i32) {
    %c0_i32 = arith.constant 0 : i32
    %c0_i32_0 = arith.constant 0 : i32
    %c0_i32_1 = arith.constant 0 : i32
    return %c0_i32, %c0_i32_0 : i32, i32
  }
  func.func @transform_5(%arg0: i32) -> (i32, i32) {
    %c0_i32 = arith.constant 0 : i32
    %c0_i32_0 = arith.constant 0 : i32
    return %arg0, %c0_i32 : i32, i32
  }
}

module attributes {stable_mosaic.version = 14 : i64} {
  func.func @_tc3_body(%arg0: i32, %arg1: memref<2x2000x128xf32, #tpu.memory_space<vmem>>, %arg2: memref<2000x128xf32, #tpu.memory_space<vmem>>, %arg3: memref<2000x1xf32, #tpu.memory_space<vmem>>, %arg4: memref<1x128xf32, #tpu.memory_space<vmem>>, %arg5: memref<2000x1xi32, #tpu.memory_space<vmem>>, %arg6: memref<128x128xf32, #tpu.memory_space<vmem>>, %arg7: memref<1x128xf32, #tpu.memory_space<vmem>>, %arg8: memref<64x128xf32, #tpu.memory_space<vmem>>, %arg9: memref<64x128xf32, #tpu.memory_space<vmem>>, %arg10: memref<64x128xf32, #tpu.memory_space<vmem>>) attributes {dimension_semantics = [#tpu.dimension_semantics<arbitrary>], iteration_bounds = array<i64: 5>, scalar_prefetch = 0 : i64, scratch_operands = 2 : i64, tpu.core_type = #tpu.core_type<tc>, window_params = [{transform_indices = @transform_0, window_bounds = array<i64: 2, 2000, 128>}, {transform_indices = @transform_1, window_bounds = array<i64: 2000, 128>}, {transform_indices = @transform_2, window_bounds = array<i64: 2000, 1>}, {pipeline_mode = #tpu.pipeline_mode<synchronous>, transform_indices = @transform_3, window_bounds = array<i64: 1, 128>}, {transform_indices = @transform_4, window_bounds = array<i64: 2000, 1>}, {pipeline_mode = #tpu.pipeline_mode<synchronous>, transform_indices = @transform_5, window_bounds = array<i64: 128, 128>}, {pipeline_mode = #tpu.pipeline_mode<synchronous>, transform_indices = @transform_6, window_bounds = array<i64: 1, 128>}, {pipeline_mode = #tpu.pipeline_mode<synchronous>, transform_indices = @transform_7, window_bounds = array<i64: 64, 128>}]} {
    %get3A = arith.constant 0 : index
    %get3A_0 = arith.constant 0 : index
    %get3A_1 = arith.constant 0 : index
    %get3A_2 = vector.load %arg1[%get3A, %get3A_0, %get3A_1] : memref<2x2000x128xf32, #tpu.memory_space<vmem>>, vector<2x2000x128xf32>
    %slice3A = vector.extract_strided_slice %get3A_2 {offsets = [0, 0, 0], sizes = [1, 2000, 128], strides = [1, 1, 1]} : vector<2x2000x128xf32> to vector<1x2000x128xf32>
    %squeeze3A = vector.shape_cast %slice3A : vector<1x2000x128xf32> to vector<2000x128xf32>
    %slice3A_3 = vector.extract_strided_slice %get3A_2 {offsets = [1, 0, 0], sizes = [1, 2000, 128], strides = [1, 1, 1]} : vector<2x2000x128xf32> to vector<1x2000x128xf32>
    %squeeze3A_4 = vector.shape_cast %slice3A_3 : vector<1x2000x128xf32> to vector<2000x128xf32>
    %add3A = arith.addf %squeeze3A, %squeeze3A_4 : vector<2000x128xf32>
    %get3A_5 = arith.constant 0 : index
    %get3A_6 = arith.constant 0 : index
    %get3A_7 = vector.load %arg2[%get3A_5, %get3A_6] : memref<2000x128xf32, #tpu.memory_space<vmem>>, vector<2000x128xf32>
    %add3A_8 = arith.addf %add3A, %get3A_7 : vector<2000x128xf32>
    %get3A_9 = arith.constant 0 : index
    %get3A_10 = arith.constant 0 : index
    %get3A_11 = vector.load %arg3[%get3A_9, %get3A_10] : memref<2000x1xf32, #tpu.memory_space<vmem>>, vector<2000x1xf32>
    %mul3A = vector.broadcast %get3A_11 : vector<2000x1xf32> to vector<2000x128xf32>
    %mul3A_12 = arith.mulf %add3A_8, %mul3A : vector<2000x128xf32>
    %get3A_13 = arith.constant 0 : index
    %get3A_14 = arith.constant 0 : index
    %get3A_15 = vector.load %arg4[%get3A_13, %get3A_14] : memref<1x128xf32, #tpu.memory_space<vmem>>, vector<1x128xf32>
    %add3A_16 = vector.broadcast %get3A_15 : vector<1x128xf32> to vector<2000x128xf32>
    %add3A_17 = arith.addf %mul3A_12, %add3A_16 : vector<2000x128xf32>
    %max3A = arith.constant 0.000000e+00 : f32
    %max3A_18 = vector.broadcast %max3A : f32 to vector<2000x128xf32>
    %max3A_19 = arith.maximumf %add3A_17, %max3A_18 : vector<2000x128xf32>
    %iota3A = tpu.iota {dimensions = array<i32: 1>} : vector<2000x64xi32>
    %get3A_20 = arith.constant 0 : index
    %get3A_21 = arith.constant 0 : index
    %get3A_22 = vector.load %arg5[%get3A_20, %get3A_21] : memref<2000x1xi32, #tpu.memory_space<vmem>>, vector<2000x1xi32>
    %eq3A = vector.broadcast %get3A_22 : vector<2000x1xi32> to vector<2000x64xi32>
    %eq3A_23 = arith.cmpi eq, %eq3A, %iota3A : vector<2000x64xi32>
    %convert_element_type3A = arith.extui %eq3A_23 : vector<2000x64xi1> to vector<2000x64xi32>
    %convert_element_type3A_24 = arith.sitofp %convert_element_type3A : vector<2000x64xi32> to vector<2000x64xf32>
    %dot_general3A = arith.constant dense<0.000000e+00> : vector<64x128xf32>
    %dot_general3A_25 = tpu.matmul %convert_element_type3A_24, %max3A_19, %dot_general3A {dimension_numbers = #tpu.dot_dimension_numbers<[0], [0], [1], [1], [0, 1, 1, 1], [], []>, transpose_lhs_hint = false} : vector<2000x64xf32>, vector<2000x128xf32>, vector<64x128xf32> -> vector<64x128xf32>
    %broadcast_in_dim3A = arith.constant 1.000000e+00 : f32
    %broadcast_in_dim3A_26 = vector.broadcast %broadcast_in_dim3A : f32 to vector<2000x128xf32>
    %dot_general3A_27 = arith.constant dense<0.000000e+00> : vector<64x128xf32>
    %dot_general3A_28 = tpu.matmul %convert_element_type3A_24, %broadcast_in_dim3A_26, %dot_general3A_27 {dimension_numbers = #tpu.dot_dimension_numbers<[0], [0], [1], [1], [0, 1, 1, 1], [], []>, transpose_lhs_hint = false} : vector<2000x64xf32>, vector<2000x128xf32>, vector<64x128xf32> -> vector<64x128xf32>
    %eq3A_29 = arith.constant 0 : i32
    %eq3A_30 = arith.cmpi eq, %arg0, %eq3A_29 : i32
    %convert_element_type3A_31 = arith.extui %eq3A_30 : i1 to i32
    %cond3A = arith.constant 0 : i32
    %cond3A_32 = arith.cmpi ne, %convert_element_type3A_31, %cond3A : i32
    scf.if %cond3A_32 {
      %broadcast_in_dim3A_51 = arith.constant 0.000000e+00 : f32
      %broadcast_in_dim3A_52 = vector.broadcast %broadcast_in_dim3A_51 : f32 to vector<64x128xf32>
      %swap3A_53 = arith.constant 0 : index
      %swap3A_54 = arith.constant 0 : index
      %swap3A_55 = vector.load %arg9[%swap3A_53, %swap3A_54] : memref<64x128xf32, #tpu.memory_space<vmem>>, vector<64x128xf32>
      tpu.vector_store %arg9[%swap3A_53, %swap3A_54], %broadcast_in_dim3A_52 {strides = array<i32>} : memref<64x128xf32, #tpu.memory_space<vmem>>, vector<64x128xf32>,
      %broadcast_in_dim3A_56 = arith.constant 0.000000e+00 : f32
      %broadcast_in_dim3A_57 = vector.broadcast %broadcast_in_dim3A_56 : f32 to vector<64x128xf32>
      %swap3A_58 = arith.constant 0 : index
      %swap3A_59 = arith.constant 0 : index
      %swap3A_60 = vector.load %arg10[%swap3A_58, %swap3A_59] : memref<64x128xf32, #tpu.memory_space<vmem>>, vector<64x128xf32>
      tpu.vector_store %arg10[%swap3A_58, %swap3A_59], %broadcast_in_dim3A_57 {strides = array<i32>} : memref<64x128xf32, #tpu.memory_space<vmem>>, vector<64x128xf32>,
    } else {
    }
    %get3A_33 = arith.constant 0 : index
    %get3A_34 = arith.constant 0 : index
    %get3A_35 = vector.load %arg9[%get3A_33, %get3A_34] : memref<64x128xf32, #tpu.memory_space<vmem>>, vector<64x128xf32>
    %add3A_36 = arith.addf %get3A_35, %dot_general3A_25 : vector<64x128xf32>
    %swap3A = arith.constant 0 : index
    %swap3A_37 = arith.constant 0 : index
    %swap3A_38 = vector.load %arg9[%swap3A, %swap3A_37] : memref<64x128xf32, #tpu.memory_space<vmem>>, vector<64x128xf32>
    tpu.vector_store %arg9[%swap3A, %swap3A_37], %add3A_36 {strides = array<i32>} : memref<64x128xf32, #tpu.memory_space<vmem>>, vector<64x128xf32>,
    %get3A_39 = arith.constant 0 : index
    %get3A_40 = arith.constant 0 : index
    %get3A_41 = vector.load %arg10[%get3A_39, %get3A_40] : memref<64x128xf32, #tpu.memory_space<vmem>>, vector<64x128xf32>
    %add3A_42 = arith.addf %get3A_41, %dot_general3A_28 : vector<64x128xf32>
    %swap3A_43 = arith.constant 0 : index
    %swap3A_44 = arith.constant 0 : index
    %swap3A_45 = vector.load %arg10[%swap3A_43, %swap3A_44] : memref<64x128xf32, #tpu.memory_space<vmem>>, vector<64x128xf32>
    tpu.vector_store %arg10[%swap3A_43, %swap3A_44], %add3A_42 {strides = array<i32>} : memref<64x128xf32, #tpu.memory_space<vmem>>, vector<64x128xf32>,
    %eq3A_46 = arith.constant 4 : i32
    %eq3A_47 = arith.cmpi eq, %arg0, %eq3A_46 : i32
    %convert_element_type3A_48 = arith.extui %eq3A_47 : i1 to i32
    %cond3A_49 = arith.constant 0 : i32
    %cond3A_50 = arith.cmpi ne, %convert_element_type3A_48, %cond3A_49 : i32
    scf.if %cond3A_50 {
      %get3A_51 = arith.constant 0 : index
      %get3A_52 = arith.constant 0 : index
      %get3A_53 = vector.load %arg9[%get3A_51, %get3A_52] : memref<64x128xf32, #tpu.memory_space<vmem>>, vector<64x128xf32>
      %get3A_54 = arith.constant 0 : index
      %get3A_55 = arith.constant 0 : index
      %get3A_56 = vector.load %arg10[%get3A_54, %get3A_55] : memref<64x128xf32, #tpu.memory_space<vmem>>, vector<64x128xf32>
      %max3A_57 = arith.constant 1.000000e+00 : f32
      %max3A_58 = vector.broadcast %max3A_57 : f32 to vector<64x128xf32>
      %max3A_59 = arith.maximumf %get3A_56, %max3A_58 : vector<64x128xf32>
      %div3A = arith.divf %get3A_53, %max3A_59 : vector<64x128xf32>
      %get3A_60 = arith.constant 0 : index
      %get3A_61 = arith.constant 0 : index
      %get3A_62 = vector.load %arg6[%get3A_60, %get3A_61] : memref<128x128xf32, #tpu.memory_space<vmem>>, vector<128x128xf32>
      %dot_general3A_63 = arith.constant dense<0.000000e+00> : vector<64x128xf32>
      %dot_general3A_64 = tpu.matmul %div3A, %get3A_62, %dot_general3A_63 {dimension_numbers = #tpu.dot_dimension_numbers<[1], [0], [0], [1], [0, 0, 1, 1], [], []>, transpose_lhs_hint = false} : vector<64x128xf32>, vector<128x128xf32>, vector<64x128xf32> -> vector<64x128xf32>
      %get3A_65 = arith.constant 0 : index
      %get3A_66 = arith.constant 0 : index
      %get3A_67 = vector.load %arg7[%get3A_65, %get3A_66] : memref<1x128xf32, #tpu.memory_space<vmem>>, vector<1x128xf32>
      %add3A_68 = vector.broadcast %get3A_67 : vector<1x128xf32> to vector<64x128xf32>
      %add3A_69 = arith.addf %dot_general3A_64, %add3A_68 : vector<64x128xf32>
      %swap3A_70 = arith.constant 0 : index
      %swap3A_71 = arith.constant 0 : index
      %swap3A_72 = vector.load %arg8[%swap3A_70, %swap3A_71] : memref<64x128xf32, #tpu.memory_space<vmem>>, vector<64x128xf32>
      tpu.vector_store %arg8[%swap3A_70, %swap3A_71], %add3A_69 {strides = array<i32>} : memref<64x128xf32, #tpu.memory_space<vmem>>, vector<64x128xf32>,
    } else {
    }
    return
  }
  func.func @transform_0(%arg0: i32) -> (i32, i32, i32) {
    %c0_i32 = arith.constant 0 : i32
    %c0_i32_0 = arith.constant 0 : i32
    %c0_i32_1 = arith.constant 0 : i32
    return %c0_i32, %arg0, %c0_i32_0 : i32, i32, i32
  }
  func.func @transform_1(%arg0: i32) -> (i32, i32) {
    %c0_i32 = arith.constant 0 : i32
    %c0_i32_0 = arith.constant 0 : i32
    return %arg0, %c0_i32 : i32, i32
  }
  func.func @transform_2(%arg0: i32) -> (i32, i32) {
    %c0_i32 = arith.constant 0 : i32
    %c0_i32_0 = arith.constant 0 : i32
    return %arg0, %c0_i32 : i32, i32
  }
  func.func @transform_3(%arg0: i32) -> (i32, i32) {
    %c0_i32 = arith.constant 0 : i32
    %c0_i32_0 = arith.constant 0 : i32
    %c0_i32_1 = arith.constant 0 : i32
    return %c0_i32, %c0_i32_0 : i32, i32
  }
  func.func @transform_4(%arg0: i32) -> (i32, i32) {
    %c0_i32 = arith.constant 0 : i32
    %c0_i32_0 = arith.constant 0 : i32
    return %arg0, %c0_i32 : i32, i32
  }
  func.func @transform_5(%arg0: i32) -> (i32, i32) {
    %c0_i32 = arith.constant 0 : i32
    %c0_i32_0 = arith.constant 0 : i32
    %c0_i32_1 = arith.constant 0 : i32
    return %c0_i32, %c0_i32_0 : i32, i32
  }
  func.func @transform_6(%arg0: i32) -> (i32, i32) {
    %c0_i32 = arith.constant 0 : i32
    %c0_i32_0 = arith.constant 0 : i32
    %c0_i32_1 = arith.constant 0 : i32
    return %c0_i32, %c0_i32_0 : i32, i32
  }
  func.func @transform_7(%arg0: i32) -> (i32, i32) {
    %c0_i32 = arith.constant 0 : i32
    %c0_i32_0 = arith.constant 0 : i32
    %c0_i32_1 = arith.constant 0 : i32
    return %c0_i32, %c0_i32_0 : i32, i32
  }
}

</mosaic_0001>

<sc_bundles>
// kernel: kernel.11.cloned.1.call-start
scs
__scs_entry_jumppad:
0x0: {  	(pc) =	sbr.rel $0x88, $3  }
0x1: {  	(tag) =	ssettag $0x0;
	lr =	simm.s32 $0x1  }
0x2: {  	[smem:$0x3F98] =	sst lr;
	_ =	strace $0xD0000000  }
0x3: {  	_ = 	snop  }
0x4: {  	_ = 	snop  }
0x5: {  	_ = 	snop  }
0x6: {  	_ = 	snop  }
0x7: {  	_ = 	snop  }
__scs_overlays_trampoline_lowered:
0x8: {  	[smem:$0x3FA7] =	sst s0  }
0x9: {  	[smem:$0x3FA8] =	sst s1  }
0xa: {  	[smem:$0x3FA9] =	sst s2  }
0xb: {  	[smem:$0x3FAA] =	sst s3  }
0xc: {  	[smem:$0x3FAB] =	sst s4  }
0xd: {  	[smem:$0x3FAC] =	sst s5  }
0xe: {  	[smem:$0x3FAD] =	sst s6  }
0xf: {  	[smem:$0x3FAE] =	sst s7  }
0x10: {  	[smem:$0x3FAF] =	sst s8  }
0x11: {  	[smem:$0x3FB0] =	sst s9;
	s0 =	simm.s32 @!p0 $0x0  }
0x12: {  	s1 =	sld [smem:$0x3F96];
	s0 =	simm.s32 @p0 $0x1  }
0x13: {  	[smem:$0x3FB1] =	sst s0;
	s0 =	simm.s32 @!p1 $0x0  }
0x14: {  	s2 =	sld [smem:$0x3F95];
	s0 =	simm.s32 @p1 $0x1  }
0x15: {  	[smem:$0x3FB2] =	sst s0;
	s0 =	simm.s32 @!p2 $0x0  }
0x16: {  	s3 =	sld [smem:$0x3FDB];
	s0 =	simm.s32 @p2 $0x1  }
0x17: {  	s4 =	simm.s32 $0x1BF5;
	[smem:$0x3FB4] =	sst s0  }
0x18: {  	s0 =	sld [smem:$0x3F97];
	_ =	swait.ge [sflag:s4], $0x0  }
0x19: {  	s7 =	sld [smem:$0x3F98]  }
0x1a: {  	s8 =	sadd.s32 $0xFFFFE003, lr  }
0x1b: {  	s9 =	sadd.s32 $0xFFFFFEF7, lr;
	s5 =	simm.s32 $0xFFFFFFFF;
	p2 =	slt.u32 s8, $0xFFFFF086  }
0x1c: {  	p1 =	slt.u32 s9, $0xF7A;
	s5 =	simm.s32 @!p2 $0x0  }
0x1d: {  	s5 =	simm.s32 @p1 $0x1;
	p0 =	seq.s32 s7, s2  }
0x1e: {  	s7 =	smul.u32 @!p0 $0xF7A, s2;
	p2 =	seq.s32 @!p0 s5, $0x0  }
0x1f: {  	s9 =	smul.u32 $0xF7A, s1;
	s8 =	simm.s32 @!p0 $0x1BF5;
	p2 =	por !p2, p0  }
0x20: {  	[sflag:s8] =	ssyncset.s32 @!p0 $0xFFFFF086;
	s6 =	sadd.s32 @!p0 s3, s7;
	s7 =	simm.s32 @!p0 $0x108  }
0x21: {  	s3 =	sadd.s32 s3, s9;
	s6 =	sadd.s32 @!p0 $0x88, s6;
	s7 =	simm.s32 @p2 $0x1082  }
0x22: {  	[simem:s7], [sflag:s8] =	dma.local @!p0 [hbm:s6], $0xF7A  }
0x23: {  	s9 =	sor.u32 $0xD0000000, s2;
	s6 =	simm.s32 $0x108;
	_ =	swait.ge @!p0 [sflag:s8], $0x0  }
0x24: {  	s3 =	sadd.s32 $0x88, s3;
	s6 =	simm.s32 @!p1 $0x1082;
	[sflag:s4] =	ssyncset.s32 $0xFFFFF086  }
0x25: {  	[simem:s6], [sflag:s4] =	dma.local [hbm:s3], $0xF7A  }
0x26: {  	[smem:$0x3F98] =	sst s1;
	(tag) =	ssettag s2;
	_ =	strace s9  }
0x27: {  	s1 =	sld [smem:$0x3FA8]  }
0x28: {  	s2 =	sld [smem:$0x3FA9]  }
0x29: {  	s4 =	sld [smem:$0x3FAB]  }
0x2a: {  	p0 =	seq.s32 s5, $0x0;
	s5 =	sld [smem:$0x3FAC]  }
0x2b: {  	s6 =	sld [smem:$0x3FAD]  }
0x2c: {  	s7 =	sld [smem:$0x3FAE]  }
0x2d: {  	s3 =	simm.s32 $0x108;
	s8 =	sld [smem:$0x3FAF]  }
0x2e: {  	s3 =	simm.s32 @!p0 $0x1082;
	s9 =	sld [smem:$0x3FB0]  }
0x2f: {  	lr =	sadd.s32 s0, s3;
	s0 =	sld [smem:$0x3FA7]  }
0x30: {  	s3 =	sld [smem:$0x3FAA]  }
0x31: {  	[smem:$0x3FB3] =	sst s10  }
0x32: {  	s10 =	sld [smem:$0x3FB1];
	_ =	sdelay $0x3  }
0x33: {  	p0 =	seq.s32 s10, $0x1;
	s10 =	sld [smem:$0x3FB3];
	_ =	sdelay $0x3  }
0x34: {  	[smem:$0x3FB3] =	sst s10  }
0x35: {  	s10 =	sld [smem:$0x3FB2];
	_ =	sdelay $0x3  }
0x36: {  	p1 =	seq.s32 s10, $0x1;
	s10 =	sld [smem:$0x3FB3];
	_ =	sdelay $0x3  }
0x37: {  	[smem:$0x3FB3] =	sst s10  }
0x38: {  	s10 =	sld [smem:$0x3FB4]  }
0x39: {  	_ = 	snop;
	(pc) =	sbr.ind lr, $3  }
0x3a: {  	_ = 	snop  }
0x3b: {  	_ = 	snop  }
0x3c: {  	p2 =	seq.s32 s10, $0x1;
	s10 =	sld [smem:$0x3FB3]  }
0x3d: {  	_ =	shalt  }
0x3e: {  	_ =	shalt  }
0x3f: {  	_ =	shalt  }
0x40: {  	_ =	shalt  }
0x41: {  	_ =	shalt  }
0x42: {  	_ =	shalt  }
0x43: {  	_ =	shalt  }
0x44: {  	_ =	shalt  }
0x45: {  	_ =	shalt  }
0x46: {  	_ =	shalt  }
0x47: {  	_ =	shalt  }
0x48: {  	_ =	shalt  }
0x49: {  	_ =	shalt  }
0x4a: {  	_ =	shalt  }
0x4b: {  	_ =	shalt  }
0x4c: {  	_ =	shalt  }
0x4d: {  	_ =	shalt  }
0x4e: {  	_ =	shalt  }
0x4f: {  	_ =	shalt  }
0x50: {  	_ =	shalt  }
0x51: {  	_ =	shalt  }
0x52: {  	_ =	shalt  }
0x53: {  	_ =	shalt  }
0x54: {  	_ =	shalt  }
0x55: {  	_ =	shalt  }
0x56: {  	_ =	shalt  }
0x57: {  	_ =	shalt  }
0x58: {  	_ =	shalt  }
0x59: {  	_ =	shalt  }
0x5a: {  	_ =	shalt  }
0x5b: {  	_ =	shalt  }
0x5c: {  	_ =	shalt  }
0x5d: {  	_ =	shalt  }
0x5e: {  	_ =	shalt  }
0x5f: {  	_ =	shalt  }
0x60: {  	_ =	shalt  }
0x61: {  	_ =	shalt  }
0x62: {  	_ =	shalt  }
0x63: {  	_ =	shalt  }
0x64: {  	_ =	shalt  }
0x65: {  	_ =	shalt  }
0x66: {  	_ =	shalt  }
0x67: {  	_ =	shalt  }
0x68: {  	_ =	shalt  }
0x69: {  	_ =	shalt  }
0x6a: {  	_ =	shalt  }
0x6b: {  	_ =	shalt  }
0x6c: {  	_ =	shalt  }
0x6d: {  	_ =	shalt  }
0x6e: {  	_ =	shalt  }
0x6f: {  	_ =	shalt  }
0x70: {  	_ =	shalt  }
0x71: {  	_ =	shalt  }
0x72: {  	_ =	shalt  }
0x73: {  	_ =	shalt  }
0x74: {  	_ =	shalt  }
0x75: {  	_ =	shalt  }
0x76: {  	_ =	shalt  }
0x77: {  	_ =	shalt  }
0x78: {  	_ =	shalt  }
0x79: {  	_ =	shalt  }
0x7a: {  	_ =	shalt  }
0x7b: {  	_ =	shalt  }
0x7c: {  	_ =	shalt  }
0x7d: {  	_ =	shalt  }
0x7e: {  	_ =	shalt  }
0x7f: {  	_ =	shalt  }
0x80: {  	_ =	shalt  }
0x81: {  	_ =	shalt  }
0x82: {  	_ =	shalt  }
0x83: {  	_ =	shalt  }
0x84: {  	_ =	shalt  }
0x85: {  	_ =	shalt  }
0x86: {  	_ =	shalt  }
0x87: {  	_ =	shalt  }
.Lfunc_end0:
.L_simem_size_0:
called_computation.1_lowered:
.L_overlay_start_0:
0x88: {  	s2 =	sld [smem:$0x3FD9]  }
0x89: {  	s3 =	sld [smem:$0x3FFE];
	_ =	sdelay $0x1  }
0x8a: {  	s1 =	srdreg.scid  }
0x8b: {  	s0 =	sand.u32 $0x1, s1  }
0x8c: {  	s16 =	sshll.u32 s0, $0xA;
	s2 =	sadd.s32 s3, s2  }
0x8d: {  	s2 =	sadd.s32 s2, s16  }
0x8e: {  	[smem:$0x3FBF] =	sst s2  }
0x8f: {  	_ = 	snop  }
0x90: {  	(tm) =	ssettm $0x1  }
0x91: {  	s17 =	sld [smem:$0x3FFB];
	_ =	sdelay $0x3  }
0x92: {  	_ =	strace s17  }
0x93: {  	s2 =	sld [smem:$0x3FFC];
	_ =	sdelay $0x3  }
0x94: {  	_ =	strace s2  }
0x95: {  	s2 =	sld [smem:$0x3FFD];
	_ =	sdelay $0x3  }
0x96: {  	_ =	strace s2  }
0x97: {  	_ =	strace $0x8FFFFFFF  }
0x98: {  	s18 =	sld [smem:$0x3FDB];
	_ =	sdelay $0x1  }
0x99: {  	s19 =	simm.s32 $_scs_section_size  }
0x9a: {  	s4 =	simm.s32 $_size__tile_overlayer_lowered;
	s5 =	simm.s32 $_tile_overlayer_lowered  }
0x9b: {  	s22 =	simm.s32 $0x1BFF;
	s21 =	sshll.u32 s5, $0x1;
	s2 =	sadd.s32 s19, s18  }
0x9c: {  	s6 =	simm.s32 $0x0;
	s20 =	sshll.u32 s4, $0x1;
	s4 =	sadd.s32 s21, s2  }
0x9d: {  	[timem:s6], [sflag:s22] =	dma.local [hbm:s4], s20  }
0x9e: {  	_ =	swait.ge [sflag:s22], s20  }
0x9f: {  	s3 =	ssub.s32 $0x0, s20;
	[sflag:s22] =	ssyncset.done $0x0  }
0xa0: {  	[sflag:s22] =	ssyncadd.s32 s3;
	_ =	sdelay $0x1  }
0xa1: {  	s23 =	simm.s32 $0x1B8B  }
0xa2: {  	_ =	swait.ge [sflag:s23], $0x1  }
0xa3: {  	[sflag:s23] =	ssyncset.done $0x0  }
0xa4: {  	s25 =	simm.s32 $0x1B8E;
	s24 =	sld [smem:$0x3FFE];
	[sflag:s23] =	ssyncadd.s32 $0xFFFFFFFF  }
0xa5: {  	s26 =	simm.s32 $execute0_lowered;
	[smem:$0x3FD2] =	sst s25  }
0xa6: {  	s4 =	sshll.u32 s26, $0x1;
	_ =	strace $0x80000049;
	[dreg:$0x1] =	wrdreg $0xFFFFFFFF  }
0xa7: {  	s28 =	simm.s32 $_size_execute0_lowered;
	s2 =	sadd.s32 s2, s4;
	[dreg:$0x0] =	wrdreg $0x0  }
0xa8: {  	s4 =	sshll.u32 s28, $0x1;
	[dreg:$0x2] =	wrdreg s2  }
0xa9: {  	[dreg:$0x3] =	wrdreg s4  }
0xaa: {  	[dreg:$0x4] =	wrdreg $0xC0  }
0xab: {  	_ =	task [dreg:s6], $0x5FFFF  }
0xac: {  	[dreg:$0x1] =	wrdreg $0xFFFFFFFF  }
0xad: {  	[dreg:$0x0] =	wrdreg $0x60  }
0xae: {  	[dreg:$0x2] =	wrdreg s24  }
0xaf: {  	[dreg:$0x3] =	wrdreg $0x29000  }
0xb0: {  	[dreg:$0x4] =	wrdreg $0x9  }
0xb1: {  	_ =	task.clear_ibuf [dreg:s6], $0x5FFFF;
	_ =	strace $0x90000049  }
0xb2: {  	s29 =	simm.s32 $0x9;
	_ =	strace $0x8000004B  }
0xb3: {  	_ =	swait.ge [sflag:s29], $0x1  }
0xb4: {  	[sflag:s29] =	ssyncadd.s32 $0xFFFFFFFF  }
0xb5: {  	_ =	strace $0x9000004B  }
0xb6: {  	_ =	sfence  }
0xb7: {  	s30 =	sld [smem:$0x0];
	_ =	sdelay $0x2  }
0xb8: {  	s31 =	sshll.u32 s1, $0xD;
	s1 =	sshrl.u32 s1, $0x2  }
0xb9: {  	s3 =	sand.u32 $0x4000, s31;
	s1 =	sadd.s32 s1, s30  }
0xba: {  	s0 =	sor.u32 s3, s0;
	s1 =	sshll.u32 s1, $0x11  }
0xbb: {  	s0 =	sor.u32 s1, s0  }
0xbc: {  	s0 =	sadd.s32 $0x8F2B, s0  }
0xbd: {  	[sflag:s0] =	ssyncadd.remote.s32 $0x1  }
0xbe: {  	_ =	sfence.sel $0xFFFF  }
0xbf: {  	[dreg:$0x0] =	wrdreg $0xFFFFFFFF;
	(pc) =	sbr.abs _section_cstart, $3  }
0xc0: {  	[dreg:$0x1] =	wrdreg $0xFFFFFFFF  }
0xc1: {  	_ =	task.clear_ibuf [dreg:s6], $0x2FFFF;
	_ =	strace $0x9FFFFFFF  }
0xc2: {  	(tm) =	ssettm $0x7FFFFFFF  }
0xc3: {  	_ =	shalt  }
tec
execute0_lowered:
.L_overlay_start_1:
0x0: {  	(tag) =	ssettag $0x1  }
0x1: {  	s6 =	rddreg [dreg:$0x0];
	s0 =	srdreg.scid  }
0x2: {  	s2 =	rddreg [dreg:$0x1];
	s1 =	stileid.u32  }
0x3: {  	s3 =	simm.s32 $0x0;
	s14 =	simm.s32 $0x80;
	s15 =	simm.s32 $0x50  }
0x4: {  	s5 =	sand.u32 $0x1, s0;
	s0 =	rddreg [dreg:$0x2];
	s4 =	smul.u32 $0x2710, s1  }
0x5: {  	s16 =	simm.s32 $0x100;
	[smem:$0x7FF] =	sst s3;
	s18 =	smul.u32 $0x2700, s1  }
0x6: {  	s9 =	smul.u32 $0x4E000, s1;
	s13 =	sadd.s32 $0x124800, s2;
	p0 =	seq.s32 s1, $0xF  }
0x7: {  	s7 =	smul.u32 $0x27100, s5;
	_ =	strace $0x8000004A;
	s5 =	ssub.s32 $0x2, s5  }
0x8: {  	s31 =	sadd.s32 s18, s6;
	s11 =	sshrl.u32 s5, $0x1;
	s9 =	sshrl.u32 s9, $0x2  }
0x9: {  	s8 =	sadd.s32 s4, s7;
	s4 =	sadd.s32 $0x16200, s6;
	s7 =	sadd.s32 s7, s6  }
0xa: {  	s11 =	ssub.s32 s5, s11;
	s12 =	sadd.s32 s9, s2;
	s5 =	sadd.s32 $0x3D400, s31  }
0xb: {  	s8 =	sshrl.u32 s8, $0x3;
	s19 =	sadd.s32 $0x64600, s7;
	s7 =	smax.u32 s11, $0x1  }
0xc: {  	s11 =	sshll.u32 @!p0 s1, $0x6;
	s12 =	sshrl.u32 @!p0 s12, $0x3;
	s10 =	sadd.s32 s8, s6  }
0xd: {  	s6 =	sadd.s32 $0x61D00, s6;
	s11 =	sor.u32 @!p0 $0x1C01, s11;
	s17 =	sadd.s32 @p0 $0x24900, s19  }
0xe: {  	s18 =	sadd.s32 @!p0 s18, s19;
	s19 =	simm.s32 $0x0;
	s8 =	sadd.s32 $0xC400, s10  }
0xf: {  	s9 =	sadd.s32 $0x2600, s10;
	s10 =	sshrl.u32 @p0 s13, $0x3;
	s13 =	simm.s32 $0x1  }
.LBB2_1:
0x10: {  	s20 =	simm.s32 @p0 $0x1FC1  }
0x11: {  	[spmem:s10], [sflag:s20] =	dma.local @p0 [hbm:s6], $0x2800  }
0x12: {  	s20 =	simm.s32 @p0 $0x1  }
0x13: {  	_ =	swait.ge @p0 [sflag:s20], $0x2800  }
0x14: {  	[sflag:s20] =	ssyncset.done @p0 $0x0  }
0x15: {  	[sflag:s20] =	ssyncadd.s32 @p0 $0xFFFFD800;
	s20 =	simm.s32 @!p0 $0x1  }
0x16: {  	[spmem:s12], [sflag:s11] =	dma.local @!p0 [hbm:s5], $0x2700  }
0x17: {  	_ =	swait.ge @!p0 [sflag:s20], $0x2700  }
0x18: {  	[sflag:s20] =	ssyncset.done @!p0 $0x0  }
0x19: {  	[sflag:s20] =	ssyncadd.s32 @!p0 $0xFFFFD900  }
0x1a: {  	s30 =	sadd.s32 $0x0, s9;
	[bflag:$0x0] =	sbarrier.arrive $0xFFFF  }
0x1b: {  	[tilespmem:s3], [sflag:$0x1] =	stream.linear.gather [hbm4b:s30+s3], $0x50, $0x38;
	[tilespmem:$0x16180] =	vst v63  }
0x1c: {  	_ =	swait.ge [sflag:s13], $0x50  }
0x1d: {  	[sflag:s13] =	ssyncset.done $0x0  }
0x1e: {  	s31 =	sadd.s32 $0x0, s8;
	[sflag:s13] =	ssyncadd.s32 $0xFFFFFFB0  }
0x1f: {  	[tilespmem:s14], [sflag:$0x1] =	stream.linear.gather [hbm4b:s31+s3], $0x50, $0x38;
	[tilespmem:$0x16180] =	vst v63  }
0x20: {  	_ =	swait.ge [sflag:s13], $0x50  }
0x21: {  	[sflag:s13] =	ssyncset.done $0x0  }
0x22: {  	[sflag:s13] =	ssyncadd.s32 $0xFFFFFFB0  }
0x23: {  	[tilespmem:s16], [sflag:$0x1] =	stream.indirect.gather [hbm4b:s4+s15], $0x80, s3, s15, $0xb8;
	[tilespmem:$0x16180] =	vst v63  }
0x24: {  	_ =	swait.ge [sflag:s13], $0x2800  }
0x25: {  	[sflag:s13] =	ssyncset.done $0x0  }
0x26: {  	[sflag:s13] =	ssyncadd.s32 $0xFFFFD800  }
0x27: {  	[spmem:s2] =	stream.indirect.scatter.add.f32 [tilespmem:s16], [sflag:$0x1], $0x80, s14, s15, $0xb8;
	[tilespmem:$0x16180] =	vst v63  }
0x28: {  	_ =	swait.ge [sflag:s13], $0x2800  }
0x29: {  	s21 =	simm.s32 $0x14;
	s20 =	simm.s32 $0xA;
	[sflag:s13] =	ssyncset.done $0x0  }
.LBB2_2:
0x2a: {  	s22 =	sadd.s32 s20, s9  }
0x2b: {  	[sflag:s13] =	ssyncadd.s32 $0xFFFFD800;
	s23 =	smov.u32 s21;
	s24 =	sadd.s32 $0xA, s21  }
0x2c: {  	[tilespmem:s3], [sflag:$0x1] =	stream.linear.gather [hbm4b:s22+s3], $0x50, $0x38;
	[tilespmem:$0x16180] =	vst v63  }
0x2d: {  	p1 =	sne.s32 s21, $0x4D8;
	_ =	swait.ge [sflag:s13], $0x50  }
0x2e: {  	[sflag:s13] =	ssyncset.done $0x0  }
0x2f: {  	s21 =	sadd.s32 s20, s8;
	s20 =	smov.u32 s23;
	[sflag:s13] =	ssyncadd.s32 $0xFFFFFFB0  }
0x30: {  	[tilespmem:s14], [sflag:$0x1] =	stream.linear.gather [hbm4b:s21+s3], $0x50, $0x38;
	[tilespmem:$0x16180] =	vst v63  }
0x31: {  	_ =	swait.ge [sflag:s13], $0x50  }
0x32: {  	[sflag:s13] =	ssyncset.done $0x0  }
0x33: {  	[sflag:s13] =	ssyncadd.s32 $0xFFFFFFB0  }
0x34: {  	[tilespmem:s16], [sflag:$0x1] =	stream.indirect.gather [hbm4b:s4+s15], $0x80, s3, s15, $0xb8;
	[tilespmem:$0x16180] =	vst v63  }
0x35: {  	_ =	swait.ge [sflag:s13], $0x2800  }
.Ltmp0:
0x36: {  	[sflag:s13] =	ssyncset.done $0x0;
	(pc) =	sbr.rel @p1 .LBB2_2-.Ltmp0, $4  }
0x37: {  	[sflag:s13] =	ssyncadd.s32 $0xFFFFD800  }
0x38: {  	[spmem:s2] =	stream.indirect.scatter.add.f32 [tilespmem:s16], [sflag:$0x1], $0x80, s14, s15, $0xb8;
	[tilespmem:$0x16180] =	vst v63  }
0x39: {  	_ =	swait.ge [sflag:s13], $0x2800  }
0x3a: {  	s21 =	smov.u32 s24;
	[sflag:s13] =	ssyncset.done $0x0  }
0x3b: {  	s21 =	sadd.s32 s20, s9;
	[sflag:s13] =	ssyncadd.s32 $0xFFFFD800  }
0x3c: {  	[tilespmem:s3], [sflag:$0x1] =	stream.linear.gather [hbm4b:s21+s3], $0x50, $0x38;
	[tilespmem:$0x16180] =	vst v63  }
0x3d: {  	_ =	swait.ge [sflag:s13], $0x50  }
0x3e: {  	[sflag:s13] =	ssyncset.done $0x0  }
0x3f: {  	s31 =	sadd.s32 s20, s8;
	[sflag:s13] =	ssyncadd.s32 $0xFFFFFFB0  }
0x40: {  	[tilespmem:s14], [sflag:$0x1] =	stream.linear.gather [hbm4b:s31+s3], $0x50, $0x38;
	[tilespmem:$0x16180] =	vst v63  }
0x41: {  	_ =	swait.ge [sflag:s13], $0x50  }
0x42: {  	[sflag:s13] =	ssyncset.done $0x0  }
0x43: {  	[sflag:s13] =	ssyncadd.s32 $0xFFFFFFB0  }
0x44: {  	[tilespmem:s16], [sflag:$0x1] =	stream.indirect.gather [hbm4b:s4+s15], $0x80, s3, s15, $0xb8;
	[tilespmem:$0x16180] =	vst v63  }
0x45: {  	_ =	swait.ge [sflag:s13], $0x2800  }
0x46: {  	[sflag:s13] =	ssyncset.done $0x0  }
0x47: {  	[sflag:s13] =	ssyncadd.s32 $0xFFFFD800  }
0x48: {  	[spmem:s2] =	stream.indirect.scatter.add.f32 [tilespmem:s16], [sflag:$0x1], $0x80, s14, s15, $0xb8;
	[tilespmem:$0x16180] =	vst v63  }
0x49: {  	_ =	swait.ge [sflag:s13], $0x2800  }
0x4a: {  	[sflag:s13] =	ssyncset.done $0x0  }
0x4b: {  	[sflag:s13] =	ssyncadd.s32 $0xFFFFD800  }
0x4c: {  	s20 =	simm.s32 @p0 $0x1FC1;
	[bflag:$0x0] =	sbarrier.arrive $0xFFFF  }
0x4d: {  	[hbm:s17], [sflag:s20] =	dma.local @p0 [spmem:s10], $0x2800  }
0x4e: {  	s20 =	simm.s32 @p0 $0x1  }
0x4f: {  	s19 =	sadd.s32 $0x1, s19;
	_ =	swait.ge @p0 [sflag:s20], $0x2800  }
0x50: {  	p1 =	sne.s32 s19, s7;
	[sflag:s20] =	ssyncset.done @p0 $0x0  }
.Ltmp1:
0x51: {  	[sflag:s20] =	ssyncadd.s32 @p0 $0xFFFFD800;
	s20 =	simm.s32 @!p0 $0x1;
	(pc) =	sbr.rel @p1 .LBB2_1-.Ltmp1, $4  }
0x52: {  	[hbm:s18], [sflag:s11] =	dma.local @!p0 [spmem:s12], $0x2700  }
0x53: {  	_ =	swait.ge @!p0 [sflag:s20], $0x2700  }
0x54: {  	[sflag:s20] =	ssyncset.done @!p0 $0x0  }
0x55: {  	[sflag:s20] =	ssyncadd.s32 @!p0 $0xFFFFD900  }
0x56: {  	_ =	sfence.sel $0x180000  }
0x57: {  	[bflag:$0x0] =	sbarrier.arrive $0xFFFF  }
0x58: {  	p0 =	sne.s32 s1, $0x0;
	_ =	strace $0x9000004A  }
0x59: {  	s0 =	sadd.s32 @!p0 $0x100000, s0;
	[bflag:$0x2] =	sbarrier.arrive $0xFFFF  }
0x5a: {  	[sflag:s0] =	ssyncadd.tile.s32 @!p0 $0x1;
	_ =	shalt  }
.Lfunc_end2:
_tile_overlayer_lowered:
.L_overlay_start_2:
0x5b: {  	(tag) =	ssettag $0x2  }
0x5c: {  	s0 =	rddreg [dreg:$0x0];
	s2 =	stileid.u32  }
0x5d: {  	s1 =	rddreg [dreg:$0x1];
	p0 =	sne.s32 s2, $0x0  }
0x5e: {  	s3 =	rddreg [dreg:$0x2];
	[bflag:$0x3] =	sbarrier.arrive $0xFFFF;
	s2 =	simm.s32 @!p0 $0x1C01  }
0x5f: {  	[timem:s3], [sflag:s2] =	dma.local @!p0 [hbm:s0], s1  }
0x60: {  	s0 =	simm.s32 @!p0 $0x1  }
0x61: {  	_ =	swait.ge @!p0 [sflag:s0], s1  }
0x62: {  	s1 =	ssub.s32 @!p0 $0x0, s1;
	[sflag:s0] =	ssyncset.done @!p0 $0x0  }
0x63: {  	[sflag:s0] =	ssyncadd.s32 @!p0 s1  }
0x64: {  	[bflag:$0x3] =	sbarrier.arrive $0xFFFF  }
0x65: {  	_ =	shalt  }

// kernel: kernel.14.cloned.1.call-start
scs
__scs_entry_jumppad:
0x0: {  	(pc) =	sbr.rel $0x88, $3  }
0x1: {  	(tag) =	ssettag $0x0;
	lr =	simm.s32 $0x1  }
0x2: {  	[smem:$0x3F98] =	sst lr;
	_ =	strace $0xD0000000  }
0x3: {  	_ = 	snop  }
0x4: {  	_ = 	snop  }
0x5: {  	_ = 	snop  }
0x6: {  	_ = 	snop  }
0x7: {  	_ = 	snop  }
__scs_overlays_trampoline_lowered:
0x8: {  	[smem:$0x3FA7] =	sst s0  }
0x9: {  	[smem:$0x3FA8] =	sst s1  }
0xa: {  	[smem:$0x3FA9] =	sst s2  }
0xb: {  	[smem:$0x3FAA] =	sst s3  }
0xc: {  	[smem:$0x3FAB] =	sst s4  }
0xd: {  	[smem:$0x3FAC] =	sst s5  }
0xe: {  	[smem:$0x3FAD] =	sst s6  }
0xf: {  	[smem:$0x3FAE] =	sst s7  }
0x10: {  	[smem:$0x3FAF] =	sst s8  }
0x11: {  	[smem:$0x3FB0] =	sst s9;
	s0 =	simm.s32 @!p0 $0x0  }
0x12: {  	s1 =	sld [smem:$0x3F96];
	s0 =	simm.s32 @p0 $0x1  }
0x13: {  	[smem:$0x3FB1] =	sst s0;
	s0 =	simm.s32 @!p1 $0x0  }
0x14: {  	s2 =	sld [smem:$0x3F95];
	s0 =	simm.s32 @p1 $0x1  }
0x15: {  	[smem:$0x3FB2] =	sst s0;
	s0 =	simm.s32 @!p2 $0x0  }
0x16: {  	s3 =	sld [smem:$0x3FDB];
	s0 =	simm.s32 @p2 $0x1  }
0x17: {  	s4 =	simm.s32 $0x1BF5;
	[smem:$0x3FB4] =	sst s0  }
0x18: {  	s0 =	sld [smem:$0x3F97];
	_ =	swait.ge [sflag:s4], $0x0  }
0x19: {  	s7 =	sld [smem:$0x3F98]  }
0x1a: {  	s8 =	sadd.s32 $0xFFFFE003, lr  }
0x1b: {  	s9 =	sadd.s32 $0xFFFFFEF7, lr;
	s5 =	simm.s32 $0xFFFFFFFF;
	p2 =	slt.u32 s8, $0xFFFFF086  }
0x1c: {  	p1 =	slt.u32 s9, $0xF7A;
	s5 =	simm.s32 @!p2 $0x0  }
0x1d: {  	s5 =	simm.s32 @p1 $0x1;
	p0 =	seq.s32 s7, s2  }
0x1e: {  	s7 =	smul.u32 @!p0 $0xF7A, s2;
	p2 =	seq.s32 @!p0 s5, $0x0  }
0x1f: {  	s9 =	smul.u32 $0xF7A, s1;
	s8 =	simm.s32 @!p0 $0x1BF5;
	p2 =	por !p2, p0  }
0x20: {  	[sflag:s8] =	ssyncset.s32 @!p0 $0xFFFFF086;
	s6 =	sadd.s32 @!p0 s3, s7;
	s7 =	simm.s32 @!p0 $0x108  }
0x21: {  	s3 =	sadd.s32 s3, s9;
	s6 =	sadd.s32 @!p0 $0x88, s6;
	s7 =	simm.s32 @p2 $0x1082  }
0x22: {  	[simem:s7], [sflag:s8] =	dma.local @!p0 [hbm:s6], $0xF7A  }
0x23: {  	s9 =	sor.u32 $0xD0000000, s2;
	s6 =	simm.s32 $0x108;
	_ =	swait.ge @!p0 [sflag:s8], $0x0  }
0x24: {  	s3 =	sadd.s32 $0x88, s3;
	s6 =	simm.s32 @!p1 $0x1082;
	[sflag:s4] =	ssyncset.s32 $0xFFFFF086  }
0x25: {  	[simem:s6], [sflag:s4] =	dma.local [hbm:s3], $0xF7A  }
0x26: {  	[smem:$0x3F98] =	sst s1;
	(tag) =	ssettag s2;
	_ =	strace s9  }
0x27: {  	s1 =	sld [smem:$0x3FA8]  }
0x28: {  	s2 =	sld [smem:$0x3FA9]  }
0x29: {  	s4 =	sld [smem:$0x3FAB]  }
0x2a: {  	p0 =	seq.s32 s5, $0x0;
	s5 =	sld [smem:$0x3FAC]  }
0x2b: {  	s6 =	sld [smem:$0x3FAD]  }
0x2c: {  	s7 =	sld [smem:$0x3FAE]  }
0x2d: {  	s3 =	simm.s32 $0x108;
	s8 =	sld [smem:$0x3FAF]  }
0x2e: {  	s3 =	simm.s32 @!p0 $0x1082;
	s9 =	sld [smem:$0x3FB0]  }
0x2f: {  	lr =	sadd.s32 s0, s3;
	s0 =	sld [smem:$0x3FA7]  }
0x30: {  	s3 =	sld [smem:$0x3FAA]  }
0x31: {  	[smem:$0x3FB3] =	sst s10  }
0x32: {  	s10 =	sld [smem:$0x3FB1];
	_ =	sdelay $0x3  }
0x33: {  	p0 =	seq.s32 s10, $0x1;
	s10 =	sld [smem:$0x3FB3];
	_ =	sdelay $0x3  }
0x34: {  	[smem:$0x3FB3] =	sst s10  }
0x35: {  	s10 =	sld [smem:$0x3FB2];
	_ =	sdelay $0x3  }
0x36: {  	p1 =	seq.s32 s10, $0x1;
	s10 =	sld [smem:$0x3FB3];
	_ =	sdelay $0x3  }
0x37: {  	[smem:$0x3FB3] =	sst s10  }
0x38: {  	s10 =	sld [smem:$0x3FB4]  }
0x39: {  	_ = 	snop;
	(pc) =	sbr.ind lr, $3  }
0x3a: {  	_ = 	snop  }
0x3b: {  	_ = 	snop  }
0x3c: {  	p2 =	seq.s32 s10, $0x1;
	s10 =	sld [smem:$0x3FB3]  }
0x3d: {  	_ =	shalt  }
0x3e: {  	_ =	shalt  }
0x3f: {  	_ =	shalt  }
0x40: {  	_ =	shalt  }
0x41: {  	_ =	shalt  }
0x42: {  	_ =	shalt  }
0x43: {  	_ =	shalt  }
0x44: {  	_ =	shalt  }
0x45: {  	_ =	shalt  }
0x46: {  	_ =	shalt  }
0x47: {  	_ =	shalt  }
0x48: {  	_ =	shalt  }
0x49: {  	_ =	shalt  }
0x4a: {  	_ =	shalt  }
0x4b: {  	_ =	shalt  }
0x4c: {  	_ =	shalt  }
0x4d: {  	_ =	shalt  }
0x4e: {  	_ =	shalt  }
0x4f: {  	_ =	shalt  }
0x50: {  	_ =	shalt  }
0x51: {  	_ =	shalt  }
0x52: {  	_ =	shalt  }
0x53: {  	_ =	shalt  }
0x54: {  	_ =	shalt  }
0x55: {  	_ =	shalt  }
0x56: {  	_ =	shalt  }
0x57: {  	_ =	shalt  }
0x58: {  	_ =	shalt  }
0x59: {  	_ =	shalt  }
0x5a: {  	_ =	shalt  }
0x5b: {  	_ =	shalt  }
0x5c: {  	_ =	shalt  }
0x5d: {  	_ =	shalt  }
0x5e: {  	_ =	shalt  }
0x5f: {  	_ =	shalt  }
0x60: {  	_ =	shalt  }
0x61: {  	_ =	shalt  }
0x62: {  	_ =	shalt  }
0x63: {  	_ =	shalt  }
0x64: {  	_ =	shalt  }
0x65: {  	_ =	shalt  }
0x66: {  	_ =	shalt  }
0x67: {  	_ =	shalt  }
0x68: {  	_ =	shalt  }
0x69: {  	_ =	shalt  }
0x6a: {  	_ =	shalt  }
0x6b: {  	_ =	shalt  }
0x6c: {  	_ =	shalt  }
0x6d: {  	_ =	shalt  }
0x6e: {  	_ =	shalt  }
0x6f: {  	_ =	shalt  }
0x70: {  	_ =	shalt  }
0x71: {  	_ =	shalt  }
0x72: {  	_ =	shalt  }
0x73: {  	_ =	shalt  }
0x74: {  	_ =	shalt  }
0x75: {  	_ =	shalt  }
0x76: {  	_ =	shalt  }
0x77: {  	_ =	shalt  }
0x78: {  	_ =	shalt  }
0x79: {  	_ =	shalt  }
0x7a: {  	_ =	shalt  }
0x7b: {  	_ =	shalt  }
0x7c: {  	_ =	shalt  }
0x7d: {  	_ =	shalt  }
0x7e: {  	_ =	shalt  }
0x7f: {  	_ =	shalt  }
0x80: {  	_ =	shalt  }
0x81: {  	_ =	shalt  }
0x82: {  	_ =	shalt  }
0x83: {  	_ =	shalt  }
0x84: {  	_ =	shalt  }
0x85: {  	_ =	shalt  }
0x86: {  	_ =	shalt  }
0x87: {  	_ =	shalt  }
.Lfunc_end0:
.L_simem_size_0:
called_computation.2_lowered:
.L_overlay_start_0:
0x88: {  	s2 =	sld [smem:$0x3FD9]  }
0x89: {  	s3 =	sld [smem:$0x3FFE];
	_ =	sdelay $0x1  }
0x8a: {  	s1 =	srdreg.scid  }
0x8b: {  	s0 =	sand.u32 $0x1, s1  }
0x8c: {  	s16 =	sshll.u32 s0, $0xA;
	s2 =	sadd.s32 s3, s2  }
0x8d: {  	s2 =	sadd.s32 s2, s16  }
0x8e: {  	[smem:$0x3FBF] =	sst s2  }
0x8f: {  	_ = 	snop  }
0x90: {  	(tm) =	ssettm $0x1  }
0x91: {  	s17 =	sld [smem:$0x3FFB];
	_ =	sdelay $0x3  }
0x92: {  	_ =	strace s17  }
0x93: {  	s2 =	sld [smem:$0x3FFC];
	_ =	sdelay $0x3  }
0x94: {  	_ =	strace s2  }
0x95: {  	s2 =	sld [smem:$0x3FFD];
	_ =	sdelay $0x3  }
0x96: {  	_ =	strace s2  }
0x97: {  	_ =	strace $0x8FFFFFFF  }
0x98: {  	s18 =	sld [smem:$0x3FDB];
	_ =	sdelay $0x1  }
0x99: {  	s19 =	simm.s32 $_scs_section_size  }
0x9a: {  	s4 =	simm.s32 $_size__tile_overlayer_lowered;
	s5 =	simm.s32 $_tile_overlayer_lowered  }
0x9b: {  	s22 =	simm.s32 $0x1BFF;
	s21 =	sshll.u32 s5, $0x1;
	s2 =	sadd.s32 s19, s18  }
0x9c: {  	s6 =	simm.s32 $0x0;
	s20 =	sshll.u32 s4, $0x1;
	s4 =	sadd.s32 s21, s2  }
0x9d: {  	[timem:s6], [sflag:s22] =	dma.local [hbm:s4], s20  }
0x9e: {  	_ =	swait.ge [sflag:s22], s20  }
0x9f: {  	s3 =	ssub.s32 $0x0, s20;
	[sflag:s22] =	ssyncset.done $0x0  }
0xa0: {  	[sflag:s22] =	ssyncadd.s32 s3;
	_ =	sdelay $0x1  }
0xa1: {  	s23 =	simm.s32 $0x1B8B  }
0xa2: {  	_ =	swait.ge [sflag:s23], $0x1  }
0xa3: {  	[sflag:s23] =	ssyncset.done $0x0  }
0xa4: {  	s25 =	simm.s32 $0x1B8E;
	s24 =	sld [smem:$0x3FFE];
	[sflag:s23] =	ssyncadd.s32 $0xFFFFFFFF  }
0xa5: {  	s26 =	simm.s32 $execute0_lowered;
	[smem:$0x3FD2] =	sst s25  }
0xa6: {  	s4 =	sshll.u32 s26, $0x1;
	_ =	strace $0x8000004C;
	[dreg:$0x1] =	wrdreg $0xFFFFFFFF  }
0xa7: {  	s28 =	simm.s32 $_size_execute0_lowered;
	s2 =	sadd.s32 s2, s4;
	[dreg:$0x0] =	wrdreg $0x0  }
0xa8: {  	s4 =	sshll.u32 s28, $0x1;
	[dreg:$0x2] =	wrdreg s2  }
0xa9: {  	[dreg:$0x3] =	wrdreg s4  }
0xaa: {  	[dreg:$0x4] =	wrdreg $0xC0  }
0xab: {  	_ =	task [dreg:s6], $0x5FFFF  }
0xac: {  	[dreg:$0x1] =	wrdreg $0xFFFFFFFF  }
0xad: {  	[dreg:$0x0] =	wrdreg $0x60  }
0xae: {  	[dreg:$0x2] =	wrdreg s24  }
0xaf: {  	[dreg:$0x3] =	wrdreg $0x29000  }
0xb0: {  	[dreg:$0x4] =	wrdreg $0x9  }
0xb1: {  	_ =	task.clear_ibuf [dreg:s6], $0x5FFFF;
	_ =	strace $0x9000004C  }
0xb2: {  	s29 =	simm.s32 $0x9;
	_ =	strace $0x8000004E  }
0xb3: {  	_ =	swait.ge [sflag:s29], $0x1  }
0xb4: {  	[sflag:s29] =	ssyncadd.s32 $0xFFFFFFFF  }
0xb5: {  	_ =	strace $0x9000004E  }
0xb6: {  	_ =	sfence  }
0xb7: {  	s30 =	sld [smem:$0x0];
	_ =	sdelay $0x2  }
0xb8: {  	s31 =	sshll.u32 s1, $0xD;
	s1 =	sshrl.u32 s1, $0x2  }
0xb9: {  	s3 =	sand.u32 $0x4000, s31;
	s1 =	sadd.s32 s1, s30  }
0xba: {  	s0 =	sor.u32 s3, s0;
	s1 =	sshll.u32 s1, $0x11  }
0xbb: {  	s0 =	sor.u32 s1, s0  }
0xbc: {  	s0 =	sadd.s32 $0x8F2B, s0  }
0xbd: {  	[sflag:s0] =	ssyncadd.remote.s32 $0x1  }
0xbe: {  	_ =	sfence.sel $0xFFFF  }
0xbf: {  	[dreg:$0x0] =	wrdreg $0xFFFFFFFF;
	(pc) =	sbr.abs _section_cstart, $3  }
0xc0: {  	[dreg:$0x1] =	wrdreg $0xFFFFFFFF  }
0xc1: {  	_ =	task.clear_ibuf [dreg:s6], $0x2FFFF;
	_ =	strace $0x9FFFFFFF  }
0xc2: {  	(tm) =	ssettm $0x7FFFFFFF  }
0xc3: {  	_ =	shalt  }
tec
execute0_lowered:
.L_overlay_start_1:
0x0: {  	(tag) =	ssettag $0x1  }
0x1: {  	s6 =	rddreg [dreg:$0x0];
	s0 =	srdreg.scid  }
0x2: {  	s2 =	rddreg [dreg:$0x1];
	s1 =	stileid.u32  }
0x3: {  	s3 =	simm.s32 $0x0;
	s14 =	simm.s32 $0x80;
	s15 =	simm.s32 $0x50  }
0x4: {  	s5 =	sand.u32 $0x1, s0;
	s0 =	rddreg [dreg:$0x2];
	s4 =	smul.u32 $0x2710, s1  }
0x5: {  	s16 =	simm.s32 $0x100;
	[smem:$0x7FF] =	sst s3;
	s18 =	smul.u32 $0x2700, s1  }
0x6: {  	s9 =	smul.u32 $0x4E000, s1;
	s13 =	sadd.s32 $0x124800, s2;
	p0 =	seq.s32 s1, $0xF  }
0x7: {  	s7 =	smul.u32 $0x27100, s5;
	_ =	strace $0x8000004D;
	s5 =	ssub.s32 $0x2, s5  }
0x8: {  	s31 =	sadd.s32 s18, s6;
	s11 =	sshrl.u32 s5, $0x1;
	s9 =	sshrl.u32 s9, $0x2  }
0x9: {  	s8 =	sadd.s32 s4, s7;
	s4 =	sadd.s32 $0x16200, s6;
	s7 =	sadd.s32 s7, s6  }
0xa: {  	s11 =	ssub.s32 s5, s11;
	s12 =	sadd.s32 s9, s2;
	s5 =	sadd.s32 $0x3D400, s31  }
0xb: {  	s8 =	sshrl.u32 s8, $0x3;
	s19 =	sadd.s32 $0x64600, s7;
	s7 =	smax.u32 s11, $0x1  }
0xc: {  	s11 =	sshll.u32 @!p0 s1, $0x6;
	s12 =	sshrl.u32 @!p0 s12, $0x3;
	s10 =	sadd.s32 s8, s6  }
0xd: {  	s6 =	sadd.s32 $0x61D00, s6;
	s11 =	sor.u32 @!p0 $0x1C01, s11;
	s17 =	sadd.s32 @p0 $0x24900, s19  }
0xe: {  	s18 =	sadd.s32 @!p0 s18, s19;
	s19 =	simm.s32 $0x0;
	s8 =	sadd.s32 $0xC400, s10  }
0xf: {  	s9 =	sadd.s32 $0x2600, s10;
	s10 =	sshrl.u32 @p0 s13, $0x3;
	s13 =	simm.s32 $0x1  }
.LBB2_1:
0x10: {  	s20 =	simm.s32 @p0 $0x1FC1  }
0x11: {  	[spmem:s10], [sflag:s20] =	dma.local @p0 [hbm:s6], $0x2800  }
0x12: {  	s20 =	simm.s32 @p0 $0x1  }
0x13: {  	_ =	swait.ge @p0 [sflag:s20], $0x2800  }
0x14: {  	[sflag:s20] =	ssyncset.done @p0 $0x0  }
0x15: {  	[sflag:s20] =	ssyncadd.s32 @p0 $0xFFFFD800;
	s20 =	simm.s32 @!p0 $0x1  }
0x16: {  	[spmem:s12], [sflag:s11] =	dma.local @!p0 [hbm:s5], $0x2700  }
0x17: {  	_ =	swait.ge @!p0 [sflag:s20], $0x2700  }
0x18: {  	[sflag:s20] =	ssyncset.done @!p0 $0x0  }
0x19: {  	[sflag:s20] =	ssyncadd.s32 @!p0 $0xFFFFD900  }
0x1a: {  	s30 =	sadd.s32 $0x0, s9;
	[bflag:$0x0] =	sbarrier.arrive $0xFFFF  }
0x1b: {  	[tilespmem:s3], [sflag:$0x1] =	stream.linear.gather [hbm4b:s30+s3], $0x50, $0x38;
	[tilespmem:$0x16180] =	vst v63  }
0x1c: {  	_ =	swait.ge [sflag:s13], $0x50  }
0x1d: {  	[sflag:s13] =	ssyncset.done $0x0  }
0x1e: {  	s31 =	sadd.s32 $0x0, s8;
	[sflag:s13] =	ssyncadd.s32 $0xFFFFFFB0  }
0x1f: {  	[tilespmem:s14], [sflag:$0x1] =	stream.linear.gather [hbm4b:s31+s3], $0x50, $0x38;
	[tilespmem:$0x16180] =	vst v63  }
0x20: {  	_ =	swait.ge [sflag:s13], $0x50  }
0x21: {  	[sflag:s13] =	ssyncset.done $0x0  }
0x22: {  	[sflag:s13] =	ssyncadd.s32 $0xFFFFFFB0  }
0x23: {  	[tilespmem:s16], [sflag:$0x1] =	stream.indirect.gather [hbm4b:s4+s15], $0x80, s3, s15, $0xb8;
	[tilespmem:$0x16180] =	vst v63  }
0x24: {  	_ =	swait.ge [sflag:s13], $0x2800  }
0x25: {  	[sflag:s13] =	ssyncset.done $0x0  }
0x26: {  	[sflag:s13] =	ssyncadd.s32 $0xFFFFD800  }
0x27: {  	[spmem:s2] =	stream.indirect.scatter.add.f32 [tilespmem:s16], [sflag:$0x1], $0x80, s14, s15, $0xb8;
	[tilespmem:$0x16180] =	vst v63  }
0x28: {  	_ =	swait.ge [sflag:s13], $0x2800  }
0x29: {  	s21 =	simm.s32 $0x14;
	s20 =	simm.s32 $0xA;
	[sflag:s13] =	ssyncset.done $0x0  }
.LBB2_2:
0x2a: {  	s22 =	sadd.s32 s20, s9  }
0x2b: {  	[sflag:s13] =	ssyncadd.s32 $0xFFFFD800;
	s23 =	smov.u32 s21;
	s24 =	sadd.s32 $0xA, s21  }
0x2c: {  	[tilespmem:s3], [sflag:$0x1] =	stream.linear.gather [hbm4b:s22+s3], $0x50, $0x38;
	[tilespmem:$0x16180] =	vst v63  }
0x2d: {  	p1 =	sne.s32 s21, $0x4D8;
	_ =	swait.ge [sflag:s13], $0x50  }
0x2e: {  	[sflag:s13] =	ssyncset.done $0x0  }
0x2f: {  	s21 =	sadd.s32 s20, s8;
	s20 =	smov.u32 s23;
	[sflag:s13] =	ssyncadd.s32 $0xFFFFFFB0  }
0x30: {  	[tilespmem:s14], [sflag:$0x1] =	stream.linear.gather [hbm4b:s21+s3], $0x50, $0x38;
	[tilespmem:$0x16180] =	vst v63  }
0x31: {  	_ =	swait.ge [sflag:s13], $0x50  }
0x32: {  	[sflag:s13] =	ssyncset.done $0x0  }
0x33: {  	[sflag:s13] =	ssyncadd.s32 $0xFFFFFFB0  }
0x34: {  	[tilespmem:s16], [sflag:$0x1] =	stream.indirect.gather [hbm4b:s4+s15], $0x80, s3, s15, $0xb8;
	[tilespmem:$0x16180] =	vst v63  }
0x35: {  	_ =	swait.ge [sflag:s13], $0x2800  }
.Ltmp0:
0x36: {  	[sflag:s13] =	ssyncset.done $0x0;
	(pc) =	sbr.rel @p1 .LBB2_2-.Ltmp0, $4  }
0x37: {  	[sflag:s13] =	ssyncadd.s32 $0xFFFFD800  }
0x38: {  	[spmem:s2] =	stream.indirect.scatter.add.f32 [tilespmem:s16], [sflag:$0x1], $0x80, s14, s15, $0xb8;
	[tilespmem:$0x16180] =	vst v63  }
0x39: {  	_ =	swait.ge [sflag:s13], $0x2800  }
0x3a: {  	s21 =	smov.u32 s24;
	[sflag:s13] =	ssyncset.done $0x0  }
0x3b: {  	s21 =	sadd.s32 s20, s9;
	[sflag:s13] =	ssyncadd.s32 $0xFFFFD800  }
0x3c: {  	[tilespmem:s3], [sflag:$0x1] =	stream.linear.gather [hbm4b:s21+s3], $0x50, $0x38;
	[tilespmem:$0x16180] =	vst v63  }
0x3d: {  	_ =	swait.ge [sflag:s13], $0x50  }
0x3e: {  	[sflag:s13] =	ssyncset.done $0x0  }
0x3f: {  	s31 =	sadd.s32 s20, s8;
	[sflag:s13] =	ssyncadd.s32 $0xFFFFFFB0  }
0x40: {  	[tilespmem:s14], [sflag:$0x1] =	stream.linear.gather [hbm4b:s31+s3], $0x50, $0x38;
	[tilespmem:$0x16180] =	vst v63  }
0x41: {  	_ =	swait.ge [sflag:s13], $0x50  }
0x42: {  	[sflag:s13] =	ssyncset.done $0x0  }
0x43: {  	[sflag:s13] =	ssyncadd.s32 $0xFFFFFFB0  }
0x44: {  	[tilespmem:s16], [sflag:$0x1] =	stream.indirect.gather [hbm4b:s4+s15], $0x80, s3, s15, $0xb8;
	[tilespmem:$0x16180] =	vst v63  }
0x45: {  	_ =	swait.ge [sflag:s13], $0x2800  }
0x46: {  	[sflag:s13] =	ssyncset.done $0x0  }
0x47: {  	[sflag:s13] =	ssyncadd.s32 $0xFFFFD800  }
0x48: {  	[spmem:s2] =	stream.indirect.scatter.add.f32 [tilespmem:s16], [sflag:$0x1], $0x80, s14, s15, $0xb8;
	[tilespmem:$0x16180] =	vst v63  }
0x49: {  	_ =	swait.ge [sflag:s13], $0x2800  }
0x4a: {  	[sflag:s13] =	ssyncset.done $0x0  }
0x4b: {  	[sflag:s13] =	ssyncadd.s32 $0xFFFFD800  }
0x4c: {  	s20 =	simm.s32 @p0 $0x1FC1;
	[bflag:$0x0] =	sbarrier.arrive $0xFFFF  }
0x4d: {  	[hbm:s17], [sflag:s20] =	dma.local @p0 [spmem:s10], $0x2800  }
0x4e: {  	s20 =	simm.s32 @p0 $0x1  }
0x4f: {  	s19 =	sadd.s32 $0x1, s19;
	_ =	swait.ge @p0 [sflag:s20], $0x2800  }
0x50: {  	p1 =	sne.s32 s19, s7;
	[sflag:s20] =	ssyncset.done @p0 $0x0  }
.Ltmp1:
0x51: {  	[sflag:s20] =	ssyncadd.s32 @p0 $0xFFFFD800;
	s20 =	simm.s32 @!p0 $0x1;
	(pc) =	sbr.rel @p1 .LBB2_1-.Ltmp1, $4  }
0x52: {  	[hbm:s18], [sflag:s11] =	dma.local @!p0 [spmem:s12], $0x2700  }
0x53: {  	_ =	swait.ge @!p0 [sflag:s20], $0x2700  }
0x54: {  	[sflag:s20] =	ssyncset.done @!p0 $0x0  }
0x55: {  	[sflag:s20] =	ssyncadd.s32 @!p0 $0xFFFFD900  }
0x56: {  	_ =	sfence.sel $0x180000  }
0x57: {  	[bflag:$0x0] =	sbarrier.arrive $0xFFFF  }
0x58: {  	p0 =	sne.s32 s1, $0x0;
	_ =	strace $0x9000004D  }
0x59: {  	s0 =	sadd.s32 @!p0 $0x100000, s0;
	[bflag:$0x2] =	sbarrier.arrive $0xFFFF  }
0x5a: {  	[sflag:s0] =	ssyncadd.tile.s32 @!p0 $0x1;
	_ =	shalt  }
.Lfunc_end2:
_tile_overlayer_lowered:
.L_overlay_start_2:
0x5b: {  	(tag) =	ssettag $0x2  }
0x5c: {  	s0 =	rddreg [dreg:$0x0];
	s2 =	stileid.u32  }
0x5d: {  	s1 =	rddreg [dreg:$0x1];
	p0 =	sne.s32 s2, $0x0  }
0x5e: {  	s3 =	rddreg [dreg:$0x2];
	[bflag:$0x3] =	sbarrier.arrive $0xFFFF;
	s2 =	simm.s32 @!p0 $0x1C01  }
0x5f: {  	[timem:s3], [sflag:s2] =	dma.local @!p0 [hbm:s0], s1  }
0x60: {  	s0 =	simm.s32 @!p0 $0x1  }
0x61: {  	_ =	swait.ge @!p0 [sflag:s0], s1  }
0x62: {  	s1 =	ssub.s32 @!p0 $0x0, s1;
	[sflag:s0] =	ssyncset.done @!p0 $0x0  }
0x63: {  	[sflag:s0] =	ssyncadd.s32 @!p0 s1  }
0x64: {  	[bflag:$0x3] =	sbarrier.arrive $0xFFFF  }
0x65: {  	_ =	shalt  }

// kernel: kernel.8.cloned.1.call-start
scs
__scs_entry_jumppad:
0x0: {  	(pc) =	sbr.rel $0x88, $3  }
0x1: {  	(tag) =	ssettag $0x0;
	lr =	simm.s32 $0x1  }
0x2: {  	[smem:$0x3F98] =	sst lr;
	_ =	strace $0xD0000000  }
0x3: {  	_ = 	snop  }
0x4: {  	_ = 	snop  }
0x5: {  	_ = 	snop  }
0x6: {  	_ = 	snop  }
0x7: {  	_ = 	snop  }
__scs_overlays_trampoline_lowered:
0x8: {  	[smem:$0x3FA7] =	sst s0  }
0x9: {  	[smem:$0x3FA8] =	sst s1  }
0xa: {  	[smem:$0x3FA9] =	sst s2  }
0xb: {  	[smem:$0x3FAA] =	sst s3  }
0xc: {  	[smem:$0x3FAB] =	sst s4  }
0xd: {  	[smem:$0x3FAC] =	sst s5  }
0xe: {  	[smem:$0x3FAD] =	sst s6  }
0xf: {  	[smem:$0x3FAE] =	sst s7  }
0x10: {  	[smem:$0x3FAF] =	sst s8  }
0x11: {  	[smem:$0x3FB0] =	sst s9;
	s0 =	simm.s32 @!p0 $0x0  }
0x12: {  	s1 =	sld [smem:$0x3F96];
	s0 =	simm.s32 @p0 $0x1  }
0x13: {  	[smem:$0x3FB1] =	sst s0;
	s0 =	simm.s32 @!p1 $0x0  }
0x14: {  	s2 =	sld [smem:$0x3F95];
	s0 =	simm.s32 @p1 $0x1  }
0x15: {  	[smem:$0x3FB2] =	sst s0;
	s0 =	simm.s32 @!p2 $0x0  }
0x16: {  	s3 =	sld [smem:$0x3FDB];
	s0 =	simm.s32 @p2 $0x1  }
0x17: {  	s4 =	simm.s32 $0x1BF5;
	[smem:$0x3FB4] =	sst s0  }
0x18: {  	s0 =	sld [smem:$0x3F97];
	_ =	swait.ge [sflag:s4], $0x0  }
0x19: {  	s7 =	sld [smem:$0x3F98]  }
0x1a: {  	s8 =	sadd.s32 $0xFFFFE003, lr  }
0x1b: {  	s9 =	sadd.s32 $0xFFFFFEF7, lr;
	s5 =	simm.s32 $0xFFFFFFFF;
	p2 =	slt.u32 s8, $0xFFFFF086  }
0x1c: {  	p1 =	slt.u32 s9, $0xF7A;
	s5 =	simm.s32 @!p2 $0x0  }
0x1d: {  	s5 =	simm.s32 @p1 $0x1;
	p0 =	seq.s32 s7, s2  }
0x1e: {  	s7 =	smul.u32 @!p0 $0xF7A, s2;
	p2 =	seq.s32 @!p0 s5, $0x0  }
0x1f: {  	s9 =	smul.u32 $0xF7A, s1;
	s8 =	simm.s32 @!p0 $0x1BF5;
	p2 =	por !p2, p0  }
0x20: {  	[sflag:s8] =	ssyncset.s32 @!p0 $0xFFFFF086;
	s6 =	sadd.s32 @!p0 s3, s7;
	s7 =	simm.s32 @!p0 $0x108  }
0x21: {  	s3 =	sadd.s32 s3, s9;
	s6 =	sadd.s32 @!p0 $0x88, s6;
	s7 =	simm.s32 @p2 $0x1082  }
0x22: {  	[simem:s7], [sflag:s8] =	dma.local @!p0 [hbm:s6], $0xF7A  }
0x23: {  	s9 =	sor.u32 $0xD0000000, s2;
	s6 =	simm.s32 $0x108;
	_ =	swait.ge @!p0 [sflag:s8], $0x0  }
0x24: {  	s3 =	sadd.s32 $0x88, s3;
	s6 =	simm.s32 @!p1 $0x1082;
	[sflag:s4] =	ssyncset.s32 $0xFFFFF086  }
0x25: {  	[simem:s6], [sflag:s4] =	dma.local [hbm:s3], $0xF7A  }
0x26: {  	[smem:$0x3F98] =	sst s1;
	(tag) =	ssettag s2;
	_ =	strace s9  }
0x27: {  	s1 =	sld [smem:$0x3FA8]  }
0x28: {  	s2 =	sld [smem:$0x3FA9]  }
0x29: {  	s4 =	sld [smem:$0x3FAB]  }
0x2a: {  	p0 =	seq.s32 s5, $0x0;
	s5 =	sld [smem:$0x3FAC]  }
0x2b: {  	s6 =	sld [smem:$0x3FAD]  }
0x2c: {  	s7 =	sld [smem:$0x3FAE]  }
0x2d: {  	s3 =	simm.s32 $0x108;
	s8 =	sld [smem:$0x3FAF]  }
0x2e: {  	s3 =	simm.s32 @!p0 $0x1082;
	s9 =	sld [smem:$0x3FB0]  }
0x2f: {  	lr =	sadd.s32 s0, s3;
	s0 =	sld [smem:$0x3FA7]  }
0x30: {  	s3 =	sld [smem:$0x3FAA]  }
0x31: {  	[smem:$0x3FB3] =	sst s10  }
0x32: {  	s10 =	sld [smem:$0x3FB1];
	_ =	sdelay $0x3  }
0x33: {  	p0 =	seq.s32 s10, $0x1;
	s10 =	sld [smem:$0x3FB3];
	_ =	sdelay $0x3  }
0x34: {  	[smem:$0x3FB3] =	sst s10  }
0x35: {  	s10 =	sld [smem:$0x3FB2];
	_ =	sdelay $0x3  }
0x36: {  	p1 =	seq.s32 s10, $0x1;
	s10 =	sld [smem:$0x3FB3];
	_ =	sdelay $0x3  }
0x37: {  	[smem:$0x3FB3] =	sst s10  }
0x38: {  	s10 =	sld [smem:$0x3FB4]  }
0x39: {  	_ = 	snop;
	(pc) =	sbr.ind lr, $3  }
0x3a: {  	_ = 	snop  }
0x3b: {  	_ = 	snop  }
0x3c: {  	p2 =	seq.s32 s10, $0x1;
	s10 =	sld [smem:$0x3FB3]  }
0x3d: {  	_ =	shalt  }
0x3e: {  	_ =	shalt  }
0x3f: {  	_ =	shalt  }
0x40: {  	_ =	shalt  }
0x41: {  	_ =	shalt  }
0x42: {  	_ =	shalt  }
0x43: {  	_ =	shalt  }
0x44: {  	_ =	shalt  }
0x45: {  	_ =	shalt  }
0x46: {  	_ =	shalt  }
0x47: {  	_ =	shalt  }
0x48: {  	_ =	shalt  }
0x49: {  	_ =	shalt  }
0x4a: {  	_ =	shalt  }
0x4b: {  	_ =	shalt  }
0x4c: {  	_ =	shalt  }
0x4d: {  	_ =	shalt  }
0x4e: {  	_ =	shalt  }
0x4f: {  	_ =	shalt  }
0x50: {  	_ =	shalt  }
0x51: {  	_ =	shalt  }
0x52: {  	_ =	shalt  }
0x53: {  	_ =	shalt  }
0x54: {  	_ =	shalt  }
0x55: {  	_ =	shalt  }
0x56: {  	_ =	shalt  }
0x57: {  	_ =	shalt  }
0x58: {  	_ =	shalt  }
0x59: {  	_ =	shalt  }
0x5a: {  	_ =	shalt  }
0x5b: {  	_ =	shalt  }
0x5c: {  	_ =	shalt  }
0x5d: {  	_ =	shalt  }
0x5e: {  	_ =	shalt  }
0x5f: {  	_ =	shalt  }
0x60: {  	_ =	shalt  }
0x61: {  	_ =	shalt  }
0x62: {  	_ =	shalt  }
0x63: {  	_ =	shalt  }
0x64: {  	_ =	shalt  }
0x65: {  	_ =	shalt  }
0x66: {  	_ =	shalt  }
0x67: {  	_ =	shalt  }
0x68: {  	_ =	shalt  }
0x69: {  	_ =	shalt  }
0x6a: {  	_ =	shalt  }
0x6b: {  	_ =	shalt  }
0x6c: {  	_ =	shalt  }
0x6d: {  	_ =	shalt  }
0x6e: {  	_ =	shalt  }
0x6f: {  	_ =	shalt  }
0x70: {  	_ =	shalt  }
0x71: {  	_ =	shalt  }
0x72: {  	_ =	shalt  }
0x73: {  	_ =	shalt  }
0x74: {  	_ =	shalt  }
0x75: {  	_ =	shalt  }
0x76: {  	_ =	shalt  }
0x77: {  	_ =	shalt  }
0x78: {  	_ =	shalt  }
0x79: {  	_ =	shalt  }
0x7a: {  	_ =	shalt  }
0x7b: {  	_ =	shalt  }
0x7c: {  	_ =	shalt  }
0x7d: {  	_ =	shalt  }
0x7e: {  	_ =	shalt  }
0x7f: {  	_ =	shalt  }
0x80: {  	_ =	shalt  }
0x81: {  	_ =	shalt  }
0x82: {  	_ =	shalt  }
0x83: {  	_ =	shalt  }
0x84: {  	_ =	shalt  }
0x85: {  	_ =	shalt  }
0x86: {  	_ =	shalt  }
0x87: {  	_ =	shalt  }
.Lfunc_end0:
.L_simem_size_0:
called_computation_lowered:
.L_overlay_start_0:
0x88: {  	s2 =	sld [smem:$0x3FD9]  }
0x89: {  	s3 =	sld [smem:$0x3FFE];
	_ =	sdelay $0x1  }
0x8a: {  	s1 =	srdreg.scid  }
0x8b: {  	s0 =	sand.u32 $0x1, s1  }
0x8c: {  	s16 =	sshll.u32 s0, $0xA;
	s2 =	sadd.s32 s3, s2  }
0x8d: {  	s2 =	sadd.s32 s2, s16  }
0x8e: {  	[smem:$0x3FBF] =	sst s2  }
0x8f: {  	_ = 	snop  }
0x90: {  	(tm) =	ssettm $0x1  }
0x91: {  	s17 =	sld [smem:$0x3FFB];
	_ =	sdelay $0x3  }
0x92: {  	_ =	strace s17  }
0x93: {  	s2 =	sld [smem:$0x3FFC];
	_ =	sdelay $0x3  }
0x94: {  	_ =	strace s2  }
0x95: {  	s2 =	sld [smem:$0x3FFD];
	_ =	sdelay $0x3  }
0x96: {  	_ =	strace s2  }
0x97: {  	_ =	strace $0x8FFFFFFF  }
0x98: {  	s18 =	sld [smem:$0x3FDB];
	_ =	sdelay $0x1  }
0x99: {  	s19 =	simm.s32 $_scs_section_size  }
0x9a: {  	s4 =	simm.s32 $_size__tile_overlayer_lowered;
	s5 =	simm.s32 $_tile_overlayer_lowered  }
0x9b: {  	s22 =	simm.s32 $0x1BFF;
	s21 =	sshll.u32 s5, $0x1;
	s2 =	sadd.s32 s19, s18  }
0x9c: {  	s6 =	simm.s32 $0x0;
	s20 =	sshll.u32 s4, $0x1;
	s4 =	sadd.s32 s21, s2  }
0x9d: {  	[timem:s6], [sflag:s22] =	dma.local [hbm:s4], s20  }
0x9e: {  	_ =	swait.ge [sflag:s22], s20  }
0x9f: {  	s3 =	ssub.s32 $0x0, s20;
	[sflag:s22] =	ssyncset.done $0x0  }
0xa0: {  	[sflag:s22] =	ssyncadd.s32 s3;
	_ =	sdelay $0x1  }
0xa1: {  	s23 =	simm.s32 $0x1B8B  }
0xa2: {  	_ =	swait.ge [sflag:s23], $0x1  }
0xa3: {  	[sflag:s23] =	ssyncset.done $0x0  }
0xa4: {  	s25 =	simm.s32 $0x1B8E;
	s24 =	sld [smem:$0x3FFE];
	[sflag:s23] =	ssyncadd.s32 $0xFFFFFFFF  }
0xa5: {  	s26 =	simm.s32 $execute0_lowered;
	[smem:$0x3FD2] =	sst s25  }
0xa6: {  	s4 =	sshll.u32 s26, $0x1;
	_ =	strace $0x80000046;
	[dreg:$0x1] =	wrdreg $0xFFFFFFFF  }
0xa7: {  	s28 =	simm.s32 $_size_execute0_lowered;
	s2 =	sadd.s32 s2, s4;
	[dreg:$0x0] =	wrdreg $0x0  }
0xa8: {  	s4 =	sshll.u32 s28, $0x1;
	[dreg:$0x2] =	wrdreg s2  }
0xa9: {  	[dreg:$0x3] =	wrdreg s4  }
0xaa: {  	[dreg:$0x4] =	wrdreg $0xC0  }
0xab: {  	_ =	task [dreg:s6], $0x5FFFF  }
0xac: {  	[dreg:$0x1] =	wrdreg $0xFFFFFFFF  }
0xad: {  	[dreg:$0x0] =	wrdreg $0x60  }
0xae: {  	[dreg:$0x2] =	wrdreg s24  }
0xaf: {  	[dreg:$0x3] =	wrdreg $0x1000  }
0xb0: {  	[dreg:$0x4] =	wrdreg $0x9  }
0xb1: {  	_ =	task.clear_ibuf [dreg:s6], $0x5FFFF;
	_ =	strace $0x90000046  }
0xb2: {  	s29 =	simm.s32 $0x9;
	_ =	strace $0x80000048  }
0xb3: {  	_ =	swait.ge [sflag:s29], $0x1  }
0xb4: {  	[sflag:s29] =	ssyncadd.s32 $0xFFFFFFFF  }
0xb5: {  	_ =	strace $0x90000048  }
0xb6: {  	_ =	sfence  }
0xb7: {  	s30 =	sld [smem:$0x0];
	_ =	sdelay $0x2  }
0xb8: {  	s31 =	sshll.u32 s1, $0xD;
	s1 =	sshrl.u32 s1, $0x2  }
0xb9: {  	s3 =	sand.u32 $0x4000, s31;
	s1 =	sadd.s32 s1, s30  }
0xba: {  	s0 =	sor.u32 s3, s0;
	s1 =	sshll.u32 s1, $0x11  }
0xbb: {  	s0 =	sor.u32 s1, s0  }
0xbc: {  	s0 =	sadd.s32 $0x8F2B, s0  }
0xbd: {  	[sflag:s0] =	ssyncadd.remote.s32 $0x1  }
0xbe: {  	_ =	sfence.sel $0xFFFF  }
0xbf: {  	[dreg:$0x0] =	wrdreg $0xFFFFFFFF;
	(pc) =	sbr.abs _section_cstart, $3  }
0xc0: {  	[dreg:$0x1] =	wrdreg $0xFFFFFFFF  }
0xc1: {  	_ =	task.clear_ibuf [dreg:s6], $0x2FFFF;
	_ =	strace $0x9FFFFFFF  }
0xc2: {  	(tm) =	ssettm $0x7FFFFFFF  }
0xc3: {  	_ =	shalt  }
tec
execute0_lowered:
.L_overlay_start_1:
0x0: {  	(tag) =	ssettag $0x1  }
0x1: {  	s0 =	srdreg.scid;
	s4 =	rddreg [dreg:$0x0]  }
0x2: {  	s6 =	stileid.u32;
	s1 =	rddreg [dreg:$0x1];
	s2 =	simm.s32 $0x0  }
0x3: {  	s10 =	simm.s32 $0x80;
	s3 =	sand.u32 $0x1, s0;
	s7 =	smul.u32 $0x2710, s6  }
0x4: {  	s11 =	simm.s32 $0x0;
	s0 =	rddreg [dreg:$0x2];
	s5 =	smul.u32 $0x27100, s3  }
0x5: {  	[smem:$0x7FF] =	sst s2;
	p0 =	sne.s32 s6, $0x0;
	s30 =	smul.u32 $0x500, s3  }
0x6: {  	s8 =	ssub.s32 $0x2, s3;
	_ =	strace $0x80000047;
	s5 =	sadd.s32 s7, s5  }
0x7: {  	s3 =	sadd.s32 $0x16200, s4;
	s31 =	sshrl.u32 s8, $0x1;
	s5 =	sshrl.u32 s5, $0x3  }
0x8: {  	s7 =	sshrl.u32 @!p0 s1, $0x3;
	s9 =	sadd.s32 s5, s4;
	s4 =	sadd.s32 s30, s4  }
0x9: {  	s5 =	ssub.s32 s8, s31;
	s8 =	simm.s32 $0x1;
	s4 =	sadd.s32 $0x16800, s4  }
0xa: {  	v0 =	vimm.f32 $1.000000000e+00;
	s5 =	smax.u32 s5, $0x1;
	s6 =	sadd.s32 $0xC400, s9;
	s9 =	simm.s32 $0x50  }
.LBB2_1:
0xb: {  	s12 =	simm.s32 @!p0 $0x1C01  }
0xc: {  	[spmem:s7], [sflag:s12] =	dma.local @!p0 [hbm:s3], $0x500  }
0xd: {  	s12 =	simm.s32 @!p0 $0x1  }
0xe: {  	_ =	swait.ge @!p0 [sflag:s12], $0x500  }
0xf: {  	[sflag:s12] =	ssyncset.done @!p0 $0x0  }
0x10: {  	[sflag:s12] =	ssyncadd.s32 @!p0 $0xFFFFFB00  }
0x11: {  	[tilespmem:$0x80] =	vst v0  }
0x12: {  	[tilespmem:$0x90] =	vst v0  }
0x13: {  	[tilespmem:$0xA0] =	vst v0  }
0x14: {  	[tilespmem:$0xB0] =	vst v0  }
0x15: {  	[tilespmem:$0xC0] =	vst v0  }
0x16: {  	s31 =	sadd.s32 $0x0, s6;
	[bflag:$0x0] =	sbarrier.arrive $0xFFFF  }
0x17: {  	[tilespmem:s2], [sflag:$0x1] =	stream.linear.gather [hbm4b:s31+s2], $0x50, $0x38;
	[tilespmem:$0x380] =	vst v63  }
0x18: {  	_ =	swait.ge [sflag:s8], $0x50  }
0x19: {  	[sflag:s8] =	ssyncset.done $0x0  }
0x1a: {  	[sflag:s8] =	ssyncadd.s32 $0xFFFFFFB0  }
0x1b: {  	[spmem:s1] =	stream.indirect.scatter.add.f32 [tilespmem:s10], [sflag:$0x1], $0x1, s2, s9, $0xb8;
	[tilespmem:$0x380] =	vst v63  }
0x1c: {  	_ =	swait.ge [sflag:s8], $0x50  }
0x1d: {  	s13 =	simm.s32 $0x14;
	s12 =	simm.s32 $0xA;
	[sflag:s8] =	ssyncset.done $0x0  }
.LBB2_2:
0x1e: {  	s14 =	sadd.s32 s12, s6  }
0x1f: {  	[sflag:s8] =	ssyncadd.s32 $0xFFFFFFB0;
	s12 =	smov.u32 s13;
	s15 =	sadd.s32 $0xA, s13  }
0x20: {  	[tilespmem:s2], [sflag:$0x1] =	stream.linear.gather [hbm4b:s14+s2], $0x50, $0x38;
	[tilespmem:$0x380] =	vst v63  }
0x21: {  	p1 =	sne.s32 s13, $0x4D8;
	_ =	swait.ge [sflag:s8], $0x50  }
.Ltmp0:
0x22: {  	[sflag:s8] =	ssyncset.done $0x0;
	(pc) =	sbr.rel @p1 .LBB2_2-.Ltmp0, $4  }
0x23: {  	[sflag:s8] =	ssyncadd.s32 $0xFFFFFFB0  }
0x24: {  	[spmem:s1] =	stream.indirect.scatter.add.f32 [tilespmem:s10], [sflag:$0x1], $0x1, s2, s9, $0xb8;
	[tilespmem:$0x380] =	vst v63  }
0x25: {  	_ =	swait.ge [sflag:s8], $0x50  }
0x26: {  	s13 =	smov.u32 s15;
	[sflag:s8] =	ssyncset.done $0x0  }
0x27: {  	s12 =	sadd.s32 s12, s6;
	[sflag:s8] =	ssyncadd.s32 $0xFFFFFFB0  }
0x28: {  	[tilespmem:s2], [sflag:$0x1] =	stream.linear.gather [hbm4b:s12+s2], $0x50, $0x38;
	[tilespmem:$0x380] =	vst v63  }
0x29: {  	_ =	swait.ge [sflag:s8], $0x50  }
0x2a: {  	[sflag:s8] =	ssyncset.done $0x0  }
0x2b: {  	[sflag:s8] =	ssyncadd.s32 $0xFFFFFFB0  }
0x2c: {  	[spmem:s1] =	stream.indirect.scatter.add.f32 [tilespmem:s10], [sflag:$0x1], $0x1, s2, s9, $0xb8;
	[tilespmem:$0x380] =	vst v63  }
0x2d: {  	_ =	swait.ge [sflag:s8], $0x50  }
0x2e: {  	[sflag:s8] =	ssyncset.done $0x0  }
0x2f: {  	s11 =	sadd.s32 $0x1, s11;
	[sflag:s8] =	ssyncadd.s32 $0xFFFFFFB0  }
0x30: {  	s12 =	simm.s32 @!p0 $0x1C01;
	p1 =	sne.s32 s11, s5;
	[bflag:$0x0] =	sbarrier.arrive $0xFFFF  }
0x31: {  	[hbm:s4], [sflag:s12] =	dma.local @!p0 [spmem:s7], $0x500  }
.Ltmp1:
0x32: {  	_ = 	snop;
	(pc) =	sbr.rel @p1 .LBB2_1-.Ltmp1, $4  }
0x33: {  	s12 =	simm.s32 @!p0 $0x1  }
0x34: {  	_ =	swait.ge @!p0 [sflag:s12], $0x500  }
0x35: {  	[sflag:s12] =	ssyncset.done @!p0 $0x0  }
0x36: {  	[sflag:s12] =	ssyncadd.s32 @!p0 $0xFFFFFB00  }
0x37: {  	_ =	sfence.sel $0x180000  }
0x38: {  	[bflag:$0x0] =	sbarrier.arrive $0xFFFF  }
0x39: {  	_ =	strace $0x90000047  }
0x3a: {  	s0 =	sadd.s32 @!p0 $0x100000, s0;
	[bflag:$0x2] =	sbarrier.arrive $0xFFFF  }
0x3b: {  	[sflag:s0] =	ssyncadd.tile.s32 @!p0 $0x1;
	_ =	shalt  }
.Lfunc_end2:
_tile_overlayer_lowered:
.L_overlay_start_2:
0x3c: {  	(tag) =	ssettag $0x2  }
0x3d: {  	s0 =	rddreg [dreg:$0x0];
	s2 =	stileid.u32  }
0x3e: {  	s1 =	rddreg [dreg:$0x1];
	p0 =	sne.s32 s2, $0x0  }
0x3f: {  	s3 =	rddreg [dreg:$0x2];
	[bflag:$0x3] =	sbarrier.arrive $0xFFFF;
	s2 =	simm.s32 @!p0 $0x1C01  }
0x40: {  	[timem:s3], [sflag:s2] =	dma.local @!p0 [hbm:s0], s1  }
0x41: {  	s0 =	simm.s32 @!p0 $0x1  }
0x42: {  	_ =	swait.ge @!p0 [sflag:s0], s1  }
0x43: {  	s1 =	ssub.s32 @!p0 $0x0, s1;
	[sflag:s0] =	ssyncset.done @!p0 $0x0  }
0x44: {  	[sflag:s0] =	ssyncadd.s32 @!p0 s1  }
0x45: {  	[bflag:$0x3] =	sbarrier.arrive $0xFFFF  }
0x46: {  	_ =	shalt  }

</sc_bundles>
